<compile_context>
chip_gen: v7x
topology: tpu7x:2x2x1
jax: 0.10.2.dev20260603
libtpu: 0.0.44.dev20260713+nightly
codegen_flags: <defaults>
</compile_context>

<pallas_src>
import functools

import jax
import jax.numpy as jnp
from jax import lax
from jax.experimental import pallas as pl
from jax.experimental.pallas import tpu as pltpu
from jax.experimental.pallas import tpu_sc as plsc

VOCAB = 1000000
EMB = 64
MAXLEN = 200
BATCH = 4096
SEQ = 200

NC = 2
NS = 16
NW = NC * NS
N = BATCH * SEQ
GB = 128
UNITS = N // GB
UNITS_PER_W = UNITS // NW
LANES = 16
ECH = EMB // LANES
ET = EMB // 8
BB = BATCH // GB
NBG = 3
NBT = 2


def _body(idx_hbm, table_hbm, pos_hbm, out_hbm, idx_v, gbuf, tbuf, pos_v,
          gsem, wsem):
    cid = lax.axis_index("c")
    sid = lax.axis_index("s")
    wid = sid * NC + cid
    u0 = wid * UNITS_PER_W

    pltpu.sync_copy(pos_hbm, pos_v)
    inv_scale = jnp.float32(1.0 / float(EMB) ** 0.5)

    @plsc.parallel_loop(0, MAXLEN, 1, unroll=4)
    def _scale(i):
        for c in range(ECH):
            sl = pl.ds(c * LANES, LANES)
            pos_v[i, sl] = pos_v[i, sl] * inv_scale

    pltpu.sync_copy(idx_hbm.at[pl.ds(u0, UNITS_PER_W)], idx_v)

    @plsc.parallel_loop(0, UNITS_PER_W, 1, unroll=2)
    def _dbl(j):
        for c in range(GB // LANES):
            sl = pl.ds(c * LANES, LANES)
            idx_v[j, sl] = idx_v[j, sl] * 2

    def _gather(j, bg, start):
        mk = pltpu.async_copy if start else pltpu.make_async_copy
        return mk(table_hbm.at[idx_v.at[j]], gbuf.at[bg], gsem.at[bg])

    _gather(0, 0, True)
    _gather(1, 1, True)

    def u_body(j, carry):
        u = u0 + j
        s = lax.div(u, BB)
        bb = lax.rem(u, BB)
        bg = lax.rem(j, NBG)
        bt = lax.rem(j, NBT)

        _gather(j, bg, False).wait()

        @pl.when(j >= NBT)
        def _():
            for e8 in range(ET):
                pltpu.make_async_copy(
                    tbuf.at[bt, e8], out_hbm.at[s, e8, bb], wsem.at[bt]
                ).wait()

        lane_ids = lax.iota(jnp.int32, LANES)

        sv = jnp.full((LANES,), s, jnp.int32)

        @plsc.parallel_loop(0, EMB, 1, unroll=2)
        def _tr(e):
            e8 = lax.div(e, 8)
            ei = lax.rem(e, 8)
            bgv = jnp.full((LANES,), bg, jnp.int32)
            ev = jnp.full((LANES,), e, jnp.int32)
            pe = plsc.load_gather(pos_v, [sv, ev])
            for bc in range(GB // LANES):
                rows = lane_ids + (bc * LANES)
                vals = plsc.load_gather(gbuf, [bgv, rows, ev])
                tbuf[bt, e8, ei, pl.ds(bc * LANES, LANES)] = vals + pe

        for e8 in range(ET):
            pltpu.async_copy(tbuf.at[bt, e8], out_hbm.at[s, e8, bb],
                             wsem.at[bt])

        @pl.when(j + 2 < UNITS_PER_W)
        def _():
            _gather(j + 2, lax.rem(j + 2, NBG), True)

        return carry

    lax.fori_loop(0, UNITS_PER_W, u_body, 0)

    for k in range(NBT):
        j = UNITS_PER_W - NBT + k
        u = u0 + j
        s = lax.div(jnp.int32(u), BB)
        bb = lax.rem(jnp.int32(u), BB)
        for e8 in range(ET):
            pltpu.make_async_copy(
                tbuf.at[j % NBT, e8], out_hbm.at[s, e8, bb],
                wsem.at[j % NBT]
            ).wait()


@jax.jit
def _sc_embed(xf, table2, pos_w):
    mesh = plsc.VectorSubcoreMesh(core_axis_name="c", subcore_axis_name="s")
    f = functools.partial(
        pl.kernel,
        mesh=mesh,
        out_type=jax.ShapeDtypeStruct((SEQ, ET, BB, 8, GB), jnp.float32),
        scratch_types=[
            pltpu.VMEM((UNITS_PER_W, GB), jnp.int32),
            pltpu.VMEM((NBG, GB, EMB), jnp.float32),
            pltpu.VMEM((NBT, ET, 8, GB), jnp.float32),
            pltpu.VMEM((MAXLEN, EMB), jnp.float32),
            pltpu.SemaphoreType.DMA((NBG,)),
            pltpu.SemaphoreType.DMA((NBT,)),
        ],
        compiler_params=pltpu.CompilerParams(use_tc_tiling_on_sc=False, needs_layout_passes=False),
    )(_body)
    return f(xf, table2, pos_w)


def kernel(x, embed_w, pos_w):
    xf = jnp.transpose(x).reshape(UNITS, GB)
    table2 = jnp.pad(embed_w, ((0, 0), (0, 64))).reshape(2 * VOCAB, EMB)
    w = _sc_embed(xf, table2, pos_w)
    return w.transpose(2, 4, 0, 1, 3).reshape(BATCH, SEQ, EMB)

# --- scband reference (transcript-rebuilt; emitter-appended) ---
"""Pipeline reference for scband-pos-encoding-65962107732537 (READ-ONLY COPY).

The authoritative reference and input builder live on the scoring server;
editing this copy changes nothing except your own understanding.
"""

import jax, jax.numpy as jnp
import numpy as np

VOCAB = 1000000
EMB = 64
MAXLEN = 200
BATCH = 4096
SEQ = 200

def setup_inputs(seed: int = 0) -> dict:
    key = jax.random.key(seed)
    k1, k2, k3 = jax.random.split(key, 3)
    x = jax.random.randint(k1, (BATCH, SEQ), 0, VOCAB, dtype=jnp.int32)
    embed_w = jax.random.normal(k2, (VOCAB, EMB), dtype=jnp.float32)
    pos_w = jax.random.normal(k3, (MAXLEN, EMB), dtype=jnp.float32)
    return {"x": x, "embed_w": embed_w, "pos_w": pos_w}

def reference(x, embed_w, pos_w):
    batch = x.shape[0]
    seq = x.shape[1]
    scale = jnp.sqrt(jnp.asarray(float(EMB), dtype=jnp.float32))
    # pos = arange(seq) repeated across batch
    pos = jnp.broadcast_to(jnp.arange(seq, dtype=jnp.int32)[None, :], (batch, seq))
    pos_out = jnp.take(pos_w, pos, axis=0)  # (B, S, E)
    tok_out = jnp.take(embed_w, x, axis=0)  # (B, S, E)
    output = pos_out / scale + tok_out
    # dropout with p=0.0 is identity in eval-equivalent reference
    return output

if __name__ == "__main__":
    import jax
    _d = setup_inputs()
    print(jax.jit(kernel)(*tuple(_d.values())))

</pallas_src>

<mosaic_0001>
#map = affine_map<(d0, d1) -> (0, 0)>
#map1 = affine_map<(d0, d1) -> (0, 0, 0, 0, 0)>
module attributes {stable_mosaic.version = 14 : i64} {
  func.func @_body(%arg0: i32, %arg1: i32, %arg2: memref<6400x128xi32, #tpu.memory_space<hbm>>, %arg3: memref<2000000x64xf32, #tpu.memory_space<hbm>>, %arg4: memref<200x64xf32, #tpu.memory_space<hbm>>, %arg5: memref<200x8x32x8x128xf32, #tpu.memory_space<hbm>>, %arg6: memref<200x128xi32, #tpu.memory_space<vmem>>, %arg7: memref<3x128x64xf32, #tpu.memory_space<vmem>>, %arg8: memref<2x8x8x128xf32, #tpu.memory_space<vmem>>, %arg9: memref<200x64xf32, #tpu.memory_space<vmem>>, %arg10: memref<3x!tpu.dma_semaphore, #tpu.memory_space<semaphore_mem>>, %arg11: memref<2x!tpu.dma_semaphore, #tpu.memory_space<semaphore_mem>>) attributes {dimension_semantics = [#tpu.dimension_semantics<core_parallel>, #tpu.dimension_semantics<subcore_parallel>], iteration_bounds = array<i64: 2, 16>, scalar_prefetch = 0 : i64, scratch_operands = 6 : i64, tpu.core_type = #tpu.core_type<sc_vector_subcore>, window_params = [{transform_indices = #map}, {transform_indices = #map}, {transform_indices = #map}, {transform_indices = #map1}]} {
    %mul3A = arith.constant 2 : i32
    %mul3A_0 = arith.muli %arg1, %mul3A : i32
    %add3A = arith.addi %mul3A_0, %arg0 : i32
    %mul3A_1 = arith.constant 200 : i32
    %mul3A_2 = arith.muli %add3A, %mul3A_1 : i32
    "tpu.region"() ({
      %run_scoped3A = tpu.sem_alloc : memref<!tpu.dma_semaphore, #tpu.memory_space<semaphore_mem>>
      tpu.enqueue_dma source(%arg4 : memref<200x64xf32, #tpu.memory_space<hbm>>) target(%arg9 : memref<200x64xf32, #tpu.memory_space<vmem>>) target_semaphore(%run_scoped3A : memref<!tpu.dma_semaphore, #tpu.memory_space<semaphore_mem>>)
      tpu.wait_dma2 semaphore(%run_scoped3A : memref<!tpu.dma_semaphore, #tpu.memory_space<semaphore_mem>>) src(%arg4 : memref<200x64xf32, #tpu.memory_space<hbm>>) dst(%arg9 : memref<200x64xf32, #tpu.memory_space<vmem>>)
      tpu.yield
    }) : () -> ()
    %parallel_loop3A = arith.constant 0 : i32
    %parallel_loop3A_3 = arith.constant 200 : i32
    %parallel_loop3A_4 = arith.constant 1 : i32
    %parallel_loop3A_5 = arith.constant 1.250000e-01 : f32
    scf.for %parallel_loop3A_404 = %parallel_loop3A to %parallel_loop3A_3 step %parallel_loop3A_4  : i32 {
      %parallel_loop3A_405 = arith.index_cast %parallel_loop3A_404 : i32 to index
      %parallel_loop3A_406 = arith.constant 0 : index
      %parallel_loop3A_407 = tpu.vector_load %arg9[%parallel_loop3A_405, %parallel_loop3A_406] {strides = array<i32>} : memref<200x64xf32, #tpu.memory_space<vmem>>, vector<16xf32>,
      %parallel_loop3A_408 = vector.broadcast %parallel_loop3A_5 : f32 to vector<16xf32>
      %parallel_loop3A_409 = arith.mulf %parallel_loop3A_407, %parallel_loop3A_408 : vector<16xf32>
      %parallel_loop3A_410 = arith.index_cast %parallel_loop3A_404 : i32 to index
      %parallel_loop3A_411 = arith.constant 0 : index
      %parallel_loop3A_412 = tpu.vector_load %arg9[%parallel_loop3A_410, %parallel_loop3A_411] {strides = array<i32>} : memref<200x64xf32, #tpu.memory_space<vmem>>, vector<16xf32>,
      tpu.vector_store %arg9[%parallel_loop3A_410, %parallel_loop3A_411], %parallel_loop3A_409 {strides = array<i32>} : memref<200x64xf32, #tpu.memory_space<vmem>>, vector<16xf32>,
      %parallel_loop3A_413 = arith.index_cast %parallel_loop3A_404 : i32 to index
      %parallel_loop3A_414 = arith.constant 16 : index
      %parallel_loop3A_415 = tpu.vector_load %arg9[%parallel_loop3A_413, %parallel_loop3A_414] {strides = array<i32>} : memref<200x64xf32, #tpu.memory_space<vmem>>, vector<16xf32>,
      %parallel_loop3A_416 = vector.broadcast %parallel_loop3A_5 : f32 to vector<16xf32>
      %parallel_loop3A_417 = arith.mulf %parallel_loop3A_415, %parallel_loop3A_416 : vector<16xf32>
      %parallel_loop3A_418 = arith.index_cast %parallel_loop3A_404 : i32 to index
      %parallel_loop3A_419 = arith.constant 16 : index
      %parallel_loop3A_420 = tpu.vector_load %arg9[%parallel_loop3A_418, %parallel_loop3A_419] {strides = array<i32>} : memref<200x64xf32, #tpu.memory_space<vmem>>, vector<16xf32>,
      tpu.vector_store %arg9[%parallel_loop3A_418, %parallel_loop3A_419], %parallel_loop3A_417 {strides = array<i32>} : memref<200x64xf32, #tpu.memory_space<vmem>>, vector<16xf32>,
      %parallel_loop3A_421 = arith.index_cast %parallel_loop3A_404 : i32 to index
      %parallel_loop3A_422 = arith.constant 32 : index
      %parallel_loop3A_423 = tpu.vector_load %arg9[%parallel_loop3A_421, %parallel_loop3A_422] {strides = array<i32>} : memref<200x64xf32, #tpu.memory_space<vmem>>, vector<16xf32>,
      %parallel_loop3A_424 = vector.broadcast %parallel_loop3A_5 : f32 to vector<16xf32>
      %parallel_loop3A_425 = arith.mulf %parallel_loop3A_423, %parallel_loop3A_424 : vector<16xf32>
      %parallel_loop3A_426 = arith.index_cast %parallel_loop3A_404 : i32 to index
      %parallel_loop3A_427 = arith.constant 32 : index
      %parallel_loop3A_428 = tpu.vector_load %arg9[%parallel_loop3A_426, %parallel_loop3A_427] {strides = array<i32>} : memref<200x64xf32, #tpu.memory_space<vmem>>, vector<16xf32>,
      tpu.vector_store %arg9[%parallel_loop3A_426, %parallel_loop3A_427], %parallel_loop3A_425 {strides = array<i32>} : memref<200x64xf32, #tpu.memory_space<vmem>>, vector<16xf32>,
      %parallel_loop3A_429 = arith.index_cast %parallel_loop3A_404 : i32 to index
      %parallel_loop3A_430 = arith.constant 48 : index
      %parallel_loop3A_431 = tpu.vector_load %arg9[%parallel_loop3A_429, %parallel_loop3A_430] {strides = array<i32>} : memref<200x64xf32, #tpu.memory_space<vmem>>, vector<16xf32>,
      %parallel_loop3A_432 = vector.broadcast %parallel_loop3A_5 : f32 to vector<16xf32>
      %parallel_loop3A_433 = arith.mulf %parallel_loop3A_431, %parallel_loop3A_432 : vector<16xf32>
      %parallel_loop3A_434 = arith.index_cast %parallel_loop3A_404 : i32 to index
      %parallel_loop3A_435 = arith.constant 48 : index
      %parallel_loop3A_436 = tpu.vector_load %arg9[%parallel_loop3A_434, %parallel_loop3A_435] {strides = array<i32>} : memref<200x64xf32, #tpu.memory_space<vmem>>, vector<16xf32>,
      tpu.vector_store %arg9[%parallel_loop3A_434, %parallel_loop3A_435], %parallel_loop3A_433 {strides = array<i32>} : memref<200x64xf32, #tpu.memory_space<vmem>>, vector<16xf32>,
    } {sc.loop_unroll_factor = 4 : i64, sc.parallel_access}
    "tpu.region"() ({
      %run_scoped3A = tpu.sem_alloc : memref<!tpu.dma_semaphore, #tpu.memory_space<semaphore_mem>>
      %dma_start3A_404 = arith.constant 0 : i32
      %dma_start3A_405 = tpu.memref_slice %arg2[%mul3A_2, %dma_start3A_404] : memref<6400x128xi32, #tpu.memory_space<hbm>> -> memref<200x128xi32, #tpu.memory_space<hbm>>
      %dma_start3A_406 = arith.constant 0 : i32
      %dma_start3A_407 = tpu.memref_slice %arg2[%mul3A_2, %dma_start3A_406] : memref<6400x128xi32, #tpu.memory_space<hbm>> -> memref<200x128xi32, #tpu.memory_space<hbm>>
      tpu.enqueue_dma source(%dma_start3A_407 : memref<200x128xi32, #tpu.memory_space<hbm>>) target(%arg6 : memref<200x128xi32, #tpu.memory_space<vmem>>) target_semaphore(%run_scoped3A : memref<!tpu.dma_semaphore, #tpu.memory_space<semaphore_mem>>)
      %dma_wait3A_408 = arith.constant 0 : i32
      %dma_wait3A_409 = tpu.memref_slice %arg2[%mul3A_2, %dma_wait3A_408] : memref<6400x128xi32, #tpu.memory_space<hbm>> -> memref<200x128xi32, #tpu.memory_space<hbm>>
      %dma_wait3A_410 = arith.constant 0 : i32
      %dma_wait3A_411 = tpu.memref_slice %arg2[%mul3A_2, %dma_wait3A_410] : memref<6400x128xi32, #tpu.memory_space<hbm>> -> memref<200x128xi32, #tpu.memory_space<hbm>>
      tpu.wait_dma2 semaphore(%run_scoped3A : memref<!tpu.dma_semaphore, #tpu.memory_space<semaphore_mem>>) src(%dma_wait3A_411 : memref<200x128xi32, #tpu.memory_space<hbm>>) dst(%arg6 : memref<200x128xi32, #tpu.memory_space<vmem>>)
      tpu.yield
    }) : () -> ()
    %parallel_loop3A_6 = arith.constant 0 : i32
    %parallel_loop3A_7 = arith.constant 200 : i32
    %parallel_loop3A_8 = arith.constant 1 : i32
    scf.for %parallel_loop3A_404 = %parallel_loop3A_6 to %parallel_loop3A_7 step %parallel_loop3A_8  : i32 {
      %parallel_loop3A_405 = arith.index_cast %parallel_loop3A_404 : i32 to index
      %parallel_loop3A_406 = arith.constant 0 : index
      %parallel_loop3A_407 = tpu.vector_load %arg6[%parallel_loop3A_405, %parallel_loop3A_406] {strides = array<i32>} : memref<200x128xi32, #tpu.memory_space<vmem>>, vector<16xi32>,
      %parallel_loop3A_408 = arith.constant 2 : i32
      %parallel_loop3A_409 = vector.broadcast %parallel_loop3A_408 : i32 to vector<16xi32>
      %parallel_loop3A_410 = arith.muli %parallel_loop3A_407, %parallel_loop3A_409 : vector<16xi32>
      %parallel_loop3A_411 = arith.index_cast %parallel_loop3A_404 : i32 to index
      %parallel_loop3A_412 = arith.constant 0 : index
      %parallel_loop3A_413 = tpu.vector_load %arg6[%parallel_loop3A_411, %parallel_loop3A_412] {strides = array<i32>} : memref<200x128xi32, #tpu.memory_space<vmem>>, vector<16xi32>,
      tpu.vector_store %arg6[%parallel_loop3A_411, %parallel_loop3A_412], %parallel_loop3A_410 {strides = array<i32>} : memref<200x128xi32, #tpu.memory_space<vmem>>, vector<16xi32>,
      %parallel_loop3A_414 = arith.index_cast %parallel_loop3A_404 : i32 to index
      %parallel_loop3A_415 = arith.constant 16 : index
      %parallel_loop3A_416 = tpu.vector_load %arg6[%parallel_loop3A_414, %parallel_loop3A_415] {strides = array<i32>} : memref<200x128xi32, #tpu.memory_space<vmem>>, vector<16xi32>,
      %parallel_loop3A_417 = arith.constant 2 : i32
      %parallel_loop3A_418 = vector.broadcast %parallel_loop3A_417 : i32 to vector<16xi32>
      %parallel_loop3A_419 = arith.muli %parallel_loop3A_416, %parallel_loop3A_418 : vector<16xi32>
      %parallel_loop3A_420 = arith.index_cast %parallel_loop3A_404 : i32 to index
      %parallel_loop3A_421 = arith.constant 16 : index
      %parallel_loop3A_422 = tpu.vector_load %arg6[%parallel_loop3A_420, %parallel_loop3A_421] {strides = array<i32>} : memref<200x128xi32, #tpu.memory_space<vmem>>, vector<16xi32>,
      tpu.vector_store %arg6[%parallel_loop3A_420, %parallel_loop3A_421], %parallel_loop3A_419 {strides = array<i32>} : memref<200x128xi32, #tpu.memory_space<vmem>>, vector<16xi32>,
      %parallel_loop3A_423 = arith.index_cast %parallel_loop3A_404 : i32 to index
      %parallel_loop3A_424 = arith.constant 32 : index
      %parallel_loop3A_425 = tpu.vector_load %arg6[%parallel_loop3A_423, %parallel_loop3A_424] {strides = array<i32>} : memref<200x128xi32, #tpu.memory_space<vmem>>, vector<16xi32>,
      %parallel_loop3A_426 = arith.constant 2 : i32
      %parallel_loop3A_427 = vector.broadcast %parallel_loop3A_426 : i32 to vector<16xi32>
      %parallel_loop3A_428 = arith.muli %parallel_loop3A_425, %parallel_loop3A_427 : vector<16xi32>
      %parallel_loop3A_429 = arith.index_cast %parallel_loop3A_404 : i32 to index
      %parallel_loop3A_430 = arith.constant 32 : index
      %parallel_loop3A_431 = tpu.vector_load %arg6[%parallel_loop3A_429, %parallel_loop3A_430] {strides = array<i32>} : memref<200x128xi32, #tpu.memory_space<vmem>>, vector<16xi32>,
      tpu.vector_store %arg6[%parallel_loop3A_429, %parallel_loop3A_430], %parallel_loop3A_428 {strides = array<i32>} : memref<200x128xi32, #tpu.memory_space<vmem>>, vector<16xi32>,
      %parallel_loop3A_432 = arith.index_cast %parallel_loop3A_404 : i32 to index
      %parallel_loop3A_433 = arith.constant 48 : index
      %parallel_loop3A_434 = tpu.vector_load %arg6[%parallel_loop3A_432, %parallel_loop3A_433] {strides = array<i32>} : memref<200x128xi32, #tpu.memory_space<vmem>>, vector<16xi32>,
      %parallel_loop3A_435 = arith.constant 2 : i32
      %parallel_loop3A_436 = vector.broadcast %parallel_loop3A_435 : i32 to vector<16xi32>
      %parallel_loop3A_437 = arith.muli %parallel_loop3A_434, %parallel_loop3A_436 : vector<16xi32>
      %parallel_loop3A_438 = arith.index_cast %parallel_loop3A_404 : i32 to index
      %parallel_loop3A_439 = arith.constant 48 : index
      %parallel_loop3A_440 = tpu.vector_load %arg6[%parallel_loop3A_438, %parallel_loop3A_439] {strides = array<i32>} : memref<200x128xi32, #tpu.memory_space<vmem>>, vector<16xi32>,
      tpu.vector_store %arg6[%parallel_loop3A_438, %parallel_loop3A_439], %parallel_loop3A_437 {strides = array<i32>} : memref<200x128xi32, #tpu.memory_space<vmem>>, vector<16xi32>,
      %parallel_loop3A_441 = arith.index_cast %parallel_loop3A_404 : i32 to index
      %parallel_loop3A_442 = arith.constant 64 : index
      %parallel_loop3A_443 = tpu.vector_load %arg6[%parallel_loop3A_441, %parallel_loop3A_442] {strides = array<i32>} : memref<200x128xi32, #tpu.memory_space<vmem>>, vector<16xi32>,
      %parallel_loop3A_444 = arith.constant 2 : i32
      %parallel_loop3A_445 = vector.broadcast %parallel_loop3A_444 : i32 to vector<16xi32>
      %parallel_loop3A_446 = arith.muli %parallel_loop3A_443, %parallel_loop3A_445 : vector<16xi32>
      %parallel_loop3A_447 = arith.index_cast %parallel_loop3A_404 : i32 to index
      %parallel_loop3A_448 = arith.constant 64 : index
      %parallel_loop3A_449 = tpu.vector_load %arg6[%parallel_loop3A_447, %parallel_loop3A_448] {strides = array<i32>} : memref<200x128xi32, #tpu.memory_space<vmem>>, vector<16xi32>,
      tpu.vector_store %arg6[%parallel_loop3A_447, %parallel_loop3A_448], %parallel_loop3A_446 {strides = array<i32>} : memref<200x128xi32, #tpu.memory_space<vmem>>, vector<16xi32>,
      %parallel_loop3A_450 = arith.index_cast %parallel_loop3A_404 : i32 to index
      %parallel_loop3A_451 = arith.constant 80 : index
      %parallel_loop3A_452 = tpu.vector_load %arg6[%parallel_loop3A_450, %parallel_loop3A_451] {strides = array<i32>} : memref<200x128xi32, #tpu.memory_space<vmem>>, vector<16xi32>,
      %parallel_loop3A_453 = arith.constant 2 : i32
      %parallel_loop3A_454 = vector.broadcast %parallel_loop3A_453 : i32 to vector<16xi32>
      %parallel_loop3A_455 = arith.muli %parallel_loop3A_452, %parallel_loop3A_454 : vector<16xi32>
      %parallel_loop3A_456 = arith.index_cast %parallel_loop3A_404 : i32 to index
      %parallel_loop3A_457 = arith.constant 80 : index
      %parallel_loop3A_458 = tpu.vector_load %arg6[%parallel_loop3A_456, %parallel_loop3A_457] {strides = array<i32>} : memref<200x128xi32, #tpu.memory_space<vmem>>, vector<16xi32>,
      tpu.vector_store %arg6[%parallel_loop3A_456, %parallel_loop3A_457], %parallel_loop3A_455 {strides = array<i32>} : memref<200x128xi32, #tpu.memory_space<vmem>>, vector<16xi32>,
      %parallel_loop3A_459 = arith.index_cast %parallel_loop3A_404 : i32 to index
      %parallel_loop3A_460 = arith.constant 96 : index
      %parallel_loop3A_461 = tpu.vector_load %arg6[%parallel_loop3A_459, %parallel_loop3A_460] {strides = array<i32>} : memref<200x128xi32, #tpu.memory_space<vmem>>, vector<16xi32>,
      %parallel_loop3A_462 = arith.constant 2 : i32
      %parallel_loop3A_463 = vector.broadcast %parallel_loop3A_462 : i32 to vector<16xi32>
      %parallel_loop3A_464 = arith.muli %parallel_loop3A_461, %parallel_loop3A_463 : vector<16xi32>
      %parallel_loop3A_465 = arith.index_cast %parallel_loop3A_404 : i32 to index
      %parallel_loop3A_466 = arith.constant 96 : index
      %parallel_loop3A_467 = tpu.vector_load %arg6[%parallel_loop3A_465, %parallel_loop3A_466] {strides = array<i32>} : memref<200x128xi32, #tpu.memory_space<vmem>>, vector<16xi32>,
      tpu.vector_store %arg6[%parallel_loop3A_465, %parallel_loop3A_466], %parallel_loop3A_464 {strides = array<i32>} : memref<200x128xi32, #tpu.memory_space<vmem>>, vector<16xi32>,
      %parallel_loop3A_468 = arith.index_cast %parallel_loop3A_404 : i32 to index
      %parallel_loop3A_469 = arith.constant 112 : index
      %parallel_loop3A_470 = tpu.vector_load %arg6[%parallel_loop3A_468, %parallel_loop3A_469] {strides = array<i32>} : memref<200x128xi32, #tpu.memory_space<vmem>>, vector<16xi32>,
      %parallel_loop3A_471 = arith.constant 2 : i32
      %parallel_loop3A_472 = vector.broadcast %parallel_loop3A_471 : i32 to vector<16xi32>
      %parallel_loop3A_473 = arith.muli %parallel_loop3A_470, %parallel_loop3A_472 : vector<16xi32>
      %parallel_loop3A_474 = arith.index_cast %parallel_loop3A_404 : i32 to index
      %parallel_loop3A_475 = arith.constant 112 : index
      %parallel_loop3A_476 = tpu.vector_load %arg6[%parallel_loop3A_474, %parallel_loop3A_475] {strides = array<i32>} : memref<200x128xi32, #tpu.memory_space<vmem>>, vector<16xi32>,
      tpu.vector_store %arg6[%parallel_loop3A_474, %parallel_loop3A_475], %parallel_loop3A_473 {strides = array<i32>} : memref<200x128xi32, #tpu.memory_space<vmem>>, vector<16xi32>,
    } {sc.loop_unroll_factor = 2 : i64, sc.parallel_access}
    %dma_start3A = arith.constant 0 : i32
    %dma_start3A_9 = arith.constant 0 : i32
    %dma_start3A_10 = arith.constant 0 : i32
    %dma_start3A_11 = arith.constant 0 : i32
    %dma_start3A_12 = arith.constant 0 : i32
    %dma_start3A_13 = tpu.memref_slice %arg7[%dma_start3A_9, %dma_start3A_11, %dma_start3A_12] : memref<3x128x64xf32, #tpu.memory_space<vmem>> -> memref<1x128x64xf32, #tpu.memory_space<vmem>>
    %dma_start3A_14 = tpu.memref_squeeze %dma_start3A_13 : memref<1x128x64xf32, #tpu.memory_space<vmem>> -> memref<128x64xf32, #tpu.memory_space<vmem>>
    %dma_start3A_15 = arith.constant 0 : i32
    %dma_start3A_16 = tpu.memref_slice %arg6[%dma_start3A, %dma_start3A_15] : memref<200x128xi32, #tpu.memory_space<vmem>> -> memref<1x128xi32, #tpu.memory_space<vmem>>
    %dma_start3A_17 = tpu.memref_squeeze %dma_start3A_16 : memref<1x128xi32, #tpu.memory_space<vmem>> -> memref<128xi32, #tpu.memory_space<vmem>>
    %dma_start3A_18 = arith.constant 0 : i32
    %dma_start3A_19 = arith.constant 0 : i32
    %dma_start3A_20 = tpu.memref_slice %arg3[%dma_start3A_18, %dma_start3A_19] : memref<2000000x64xf32, #tpu.memory_space<hbm>> -> memref<2000000x64xf32, #tpu.memory_space<hbm>>
    %dma_start3A_21 = tpu.memref_slice %arg10[%dma_start3A_10] : memref<3x!tpu.dma_semaphore, #tpu.memory_space<semaphore_mem>> -> memref<1x!tpu.dma_semaphore, #tpu.memory_space<semaphore_mem>>
    %dma_start3A_22 = tpu.memref_squeeze %dma_start3A_21 : memref<1x!tpu.dma_semaphore, #tpu.memory_space<semaphore_mem>> -> memref<!tpu.dma_semaphore, #tpu.memory_space<semaphore_mem>>
    tpu.enqueue_indirect_dma source(%dma_start3A_20 : memref<2000000x64xf32, #tpu.memory_space<hbm>>) target(%dma_start3A_14 : memref<128x64xf32, #tpu.memory_space<vmem>>) offsets(%dma_start3A_17 : memref<128xi32, #tpu.memory_space<vmem>>) semaphore(%dma_start3A_22 : memref<!tpu.dma_semaphore, #tpu.memory_space<semaphore_mem>>)
    %dma_start3A_23 = arith.constant 1 : i32
    %dma_start3A_24 = arith.constant 1 : i32
    %dma_start3A_25 = arith.constant 1 : i32
    %dma_start3A_26 = arith.constant 0 : i32
    %dma_start3A_27 = arith.constant 0 : i32
    %dma_start3A_28 = tpu.memref_slice %arg7[%dma_start3A_24, %dma_start3A_26, %dma_start3A_27] : memref<3x128x64xf32, #tpu.memory_space<vmem>> -> memref<1x128x64xf32, #tpu.memory_space<vmem>>
    %dma_start3A_29 = tpu.memref_squeeze %dma_start3A_28 : memref<1x128x64xf32, #tpu.memory_space<vmem>> -> memref<128x64xf32, #tpu.memory_space<vmem>>
    %dma_start3A_30 = arith.constant 0 : i32
    %dma_start3A_31 = tpu.memref_slice %arg6[%dma_start3A_23, %dma_start3A_30] : memref<200x128xi32, #tpu.memory_space<vmem>> -> memref<1x128xi32, #tpu.memory_space<vmem>>
    %dma_start3A_32 = tpu.memref_squeeze %dma_start3A_31 : memref<1x128xi32, #tpu.memory_space<vmem>> -> memref<128xi32, #tpu.memory_space<vmem>>
    %dma_start3A_33 = arith.constant 0 : i32
    %dma_start3A_34 = arith.constant 0 : i32
    %dma_start3A_35 = tpu.memref_slice %arg3[%dma_start3A_33, %dma_start3A_34] : memref<2000000x64xf32, #tpu.memory_space<hbm>> -> memref<2000000x64xf32, #tpu.memory_space<hbm>>
    %dma_start3A_36 = tpu.memref_slice %arg10[%dma_start3A_25] : memref<3x!tpu.dma_semaphore, #tpu.memory_space<semaphore_mem>> -> memref<1x!tpu.dma_semaphore, #tpu.memory_space<semaphore_mem>>
    %dma_start3A_37 = tpu.memref_squeeze %dma_start3A_36 : memref<1x!tpu.dma_semaphore, #tpu.memory_space<semaphore_mem>> -> memref<!tpu.dma_semaphore, #tpu.memory_space<semaphore_mem>>
    tpu.enqueue_indirect_dma source(%dma_start3A_35 : memref<2000000x64xf32, #tpu.memory_space<hbm>>) target(%dma_start3A_29 : memref<128x64xf32, #tpu.memory_space<vmem>>) offsets(%dma_start3A_32 : memref<128xi32, #tpu.memory_space<vmem>>) semaphore(%dma_start3A_37 : memref<!tpu.dma_semaphore, #tpu.memory_space<semaphore_mem>>)
    %scan3A = arith.constant 0 : i32
    %scan3A_38 = arith.constant 0 : i32
    %scan3A_39 = arith.constant 200 : i32
    %scan3A_40 = arith.addi %scan3A_38, %scan3A_39 : i32
    %scan3A_41 = arith.constant 1 : i32
    scf.for %scan3A_404 = %scan3A_38 to %scan3A_40 step %scan3A_41  : i32 {
      %add3A_405 = arith.addi %mul3A_2, %scan3A_404 : i32
      %div3A_406 = arith.constant 32 : i32
      %div3A_407 = arith.divsi %add3A_405, %div3A_406 : i32
      %rem3A_408 = arith.constant 32 : i32
      %rem3A_409 = arith.remsi %add3A_405, %rem3A_408 : i32
      %rem3A_410 = arith.constant 3 : i32
      %rem3A_411 = arith.remsi %scan3A_404, %rem3A_410 : i32
      %rem3A_412 = arith.constant 2 : i32
      %rem3A_413 = arith.remsi %scan3A_404, %rem3A_412 : i32
      %dma_wait3A_414 = arith.constant 0 : i32
      %dma_wait3A_415 = arith.constant 0 : i32
      %dma_wait3A_416 = tpu.memref_slice %arg7[%rem3A_411, %dma_wait3A_414, %dma_wait3A_415] : memref<3x128x64xf32, #tpu.memory_space<vmem>> -> memref<1x128x64xf32, #tpu.memory_space<vmem>>
      %dma_wait3A_417 = tpu.memref_squeeze %dma_wait3A_416 : memref<1x128x64xf32, #tpu.memory_space<vmem>> -> memref<128x64xf32, #tpu.memory_space<vmem>>
      %dma_wait3A_418 = arith.constant 0 : i32
      %dma_wait3A_419 = tpu.memref_slice %arg6[%scan3A_404, %dma_wait3A_418] : memref<200x128xi32, #tpu.memory_space<vmem>> -> memref<1x128xi32, #tpu.memory_space<vmem>>
      %dma_wait3A_420 = tpu.memref_squeeze %dma_wait3A_419 : memref<1x128xi32, #tpu.memory_space<vmem>> -> memref<128xi32, #tpu.memory_space<vmem>>
      %dma_wait3A_421 = arith.constant 0 : i32
      %dma_wait3A_422 = arith.constant 0 : i32
      %dma_wait3A_423 = tpu.memref_slice %arg3[%dma_wait3A_421, %dma_wait3A_422] : memref<2000000x64xf32, #tpu.memory_space<hbm>> -> memref<2000000x64xf32, #tpu.memory_space<hbm>>
      %dma_wait3A_424 = tpu.memref_slice %arg10[%rem3A_411] : memref<3x!tpu.dma_semaphore, #tpu.memory_space<semaphore_mem>> -> memref<1x!tpu.dma_semaphore, #tpu.memory_space<semaphore_mem>>
      %dma_wait3A_425 = tpu.memref_squeeze %dma_wait3A_424 : memref<1x!tpu.dma_semaphore, #tpu.memory_space<semaphore_mem>> -> memref<!tpu.dma_semaphore, #tpu.memory_space<semaphore_mem>>
      tpu.wait_indirect_dma semaphore(%dma_wait3A_425 : memref<!tpu.dma_semaphore, #tpu.memory_space<semaphore_mem>>) src(%dma_wait3A_423 : memref<2000000x64xf32, #tpu.memory_space<hbm>>) dst(%dma_wait3A_417 : memref<128x64xf32, #tpu.memory_space<vmem>>)
      %ge3A = arith.constant 2 : i32
      %ge3A_426 = arith.cmpi sge, %scan3A_404, %ge3A : i32
      %convert_element_type3A = arith.extui %ge3A_426 : i1 to i32
      %cond3A = arith.constant 0 : i32
      %cond3A_427 = arith.cmpi ne, %convert_element_type3A, %cond3A : i32
      scf.if %cond3A_427 {
        %dma_wait3A_597 = arith.constant 0 : i32
        %dma_wait3A_598 = arith.constant 0 : i32
        %dma_wait3A_599 = arith.constant 0 : i32
        %dma_wait3A_600 = arith.constant 0 : i32
        %dma_wait3A_601 = tpu.memref_slice %arg8[%rem3A_413, %dma_wait3A_597, %dma_wait3A_599, %dma_wait3A_600] : memref<2x8x8x128xf32, #tpu.memory_space<vmem>> -> memref<1x1x8x128xf32, #tpu.memory_space<vmem>>
        %dma_wait3A_602 = tpu.memref_squeeze %dma_wait3A_601 : memref<1x1x8x128xf32, #tpu.memory_space<vmem>> -> memref<8x128xf32, #tpu.memory_space<vmem>>
        %dma_wait3A_603 = arith.constant 0 : i32
        %dma_wait3A_604 = arith.constant 0 : i32
        %dma_wait3A_605 = tpu.memref_slice %arg5[%div3A_407, %dma_wait3A_598, %rem3A_409, %dma_wait3A_603, %dma_wait3A_604] : memref<200x8x32x8x128xf32, #tpu.memory_space<hbm>> -> memref<1x1x1x8x128xf32, #tpu.memory_space<hbm>>
        %dma_wait3A_606 = tpu.memref_squeeze %dma_wait3A_605 : memref<1x1x1x8x128xf32, #tpu.memory_space<hbm>> -> memref<8x128xf32, #tpu.memory_space<hbm>>
        %dma_wait3A_607 = tpu.memref_slice %arg11[%rem3A_413] : memref<2x!tpu.dma_semaphore, #tpu.memory_space<semaphore_mem>> -> memref<1x!tpu.dma_semaphore, #tpu.memory_space<semaphore_mem>>
        %dma_wait3A_608 = tpu.memref_squeeze %dma_wait3A_607 : memref<1x!tpu.dma_semaphore, #tpu.memory_space<semaphore_mem>> -> memref<!tpu.dma_semaphore, #tpu.memory_space<semaphore_mem>>
        %dma_wait3A_609 = arith.constant 0 : i32
        %dma_wait3A_610 = arith.constant 0 : i32
        %dma_wait3A_611 = tpu.memref_slice %arg5[%div3A_407, %dma_wait3A_598, %rem3A_409, %dma_wait3A_609, %dma_wait3A_610] : memref<200x8x32x8x128xf32, #tpu.memory_space<hbm>> -> memref<1x1x1x8x128xf32, #tpu.memory_space<hbm>>
        %dma_wait3A_612 = tpu.memref_squeeze %dma_wait3A_611 : memref<1x1x1x8x128xf32, #tpu.memory_space<hbm>> -> memref<8x128xf32, #tpu.memory_space<hbm>>
        %dma_wait3A_613 = arith.constant 0 : i32
        %dma_wait3A_614 = arith.constant 0 : i32
        %dma_wait3A_615 = tpu.memref_slice %arg8[%rem3A_413, %dma_wait3A_597, %dma_wait3A_613, %dma_wait3A_614] : memref<2x8x8x128xf32, #tpu.memory_space<vmem>> -> memref<1x1x8x128xf32, #tpu.memory_space<vmem>>
        %dma_wait3A_616 = tpu.memref_squeeze %dma_wait3A_615 : memref<1x1x8x128xf32, #tpu.memory_space<vmem>> -> memref<8x128xf32, #tpu.memory_space<vmem>>
        tpu.wait_dma2 semaphore(%dma_wait3A_608 : memref<!tpu.dma_semaphore, #tpu.memory_space<semaphore_mem>>) src(%dma_wait3A_616 : memref<8x128xf32, #tpu.memory_space<vmem>>) dst(%dma_wait3A_612 : memref<8x128xf32, #tpu.memory_space<hbm>>)
        %dma_wait3A_617 = arith.constant 1 : i32
        %dma_wait3A_618 = arith.constant 1 : i32
        %dma_wait3A_619 = arith.constant 0 : i32
        %dma_wait3A_620 = arith.constant 0 : i32
        %dma_wait3A_621 = tpu.memref_slice %arg8[%rem3A_413, %dma_wait3A_617, %dma_wait3A_619, %dma_wait3A_620] : memref<2x8x8x128xf32, #tpu.memory_space<vmem>> -> memref<1x1x8x128xf32, #tpu.memory_space<vmem>>
        %dma_wait3A_622 = tpu.memref_squeeze %dma_wait3A_621 : memref<1x1x8x128xf32, #tpu.memory_space<vmem>> -> memref<8x128xf32, #tpu.memory_space<vmem>>
        %dma_wait3A_623 = arith.constant 0 : i32
        %dma_wait3A_624 = arith.constant 0 : i32
        %dma_wait3A_625 = tpu.memref_slice %arg5[%div3A_407, %dma_wait3A_618, %rem3A_409, %dma_wait3A_623, %dma_wait3A_624] : memref<200x8x32x8x128xf32, #tpu.memory_space<hbm>> -> memref<1x1x1x8x128xf32, #tpu.memory_space<hbm>>
        %dma_wait3A_626 = tpu.memref_squeeze %dma_wait3A_625 : memref<1x1x1x8x128xf32, #tpu.memory_space<hbm>> -> memref<8x128xf32, #tpu.memory_space<hbm>>
        %dma_wait3A_627 = tpu.memref_slice %arg11[%rem3A_413] : memref<2x!tpu.dma_semaphore, #tpu.memory_space<semaphore_mem>> -> memref<1x!tpu.dma_semaphore, #tpu.memory_space<semaphore_mem>>
        %dma_wait3A_628 = tpu.memref_squeeze %dma_wait3A_627 : memref<1x!tpu.dma_semaphore, #tpu.memory_space<semaphore_mem>> -> memref<!tpu.dma_semaphore, #tpu.memory_space<semaphore_mem>>
        %dma_wait3A_629 = arith.constant 0 : i32
        %dma_wait3A_630 = arith.constant 0 : i32
        %dma_wait3A_631 = tpu.memref_slice %arg5[%div3A_407, %dma_wait3A_618, %rem3A_409, %dma_wait3A_629, %dma_wait3A_630] : memref<200x8x32x8x128xf32, #tpu.memory_space<hbm>> -> memref<1x1x1x8x128xf32, #tpu.memory_space<hbm>>
        %dma_wait3A_632 = tpu.memref_squeeze %dma_wait3A_631 : memref<1x1x1x8x128xf32, #tpu.memory_space<hbm>> -> memref<8x128xf32, #tpu.memory_space<hbm>>
        %dma_wait3A_633 = arith.constant 0 : i32
        %dma_wait3A_634 = arith.constant 0 : i32
        %dma_wait3A_635 = tpu.memref_slice %arg8[%rem3A_413, %dma_wait3A_617, %dma_wait3A_633, %dma_wait3A_634] : memref<2x8x8x128xf32, #tpu.memory_space<vmem>> -> memref<1x1x8x128xf32, #tpu.memory_space<vmem>>
        %dma_wait3A_636 = tpu.memref_squeeze %dma_wait3A_635 : memref<1x1x8x128xf32, #tpu.memory_space<vmem>> -> memref<8x128xf32, #tpu.memory_space<vmem>>
        tpu.wait_dma2 semaphore(%dma_wait3A_628 : memref<!tpu.dma_semaphore, #tpu.memory_space<semaphore_mem>>) src(%dma_wait3A_636 : memref<8x128xf32, #tpu.memory_space<vmem>>) dst(%dma_wait3A_632 : memref<8x128xf32, #tpu.memory_space<hbm>>)
        %dma_wait3A_637 = arith.constant 2 : i32
        %dma_wait3A_638 = arith.constant 2 : i32
        %dma_wait3A_639 = arith.constant 0 : i32
        %dma_wait3A_640 = arith.constant 0 : i32
        %dma_wait3A_641 = tpu.memref_slice %arg8[%rem3A_413, %dma_wait3A_637, %dma_wait3A_639, %dma_wait3A_640] : memref<2x8x8x128xf32, #tpu.memory_space<vmem>> -> memref<1x1x8x128xf32, #tpu.memory_space<vmem>>
        %dma_wait3A_642 = tpu.memref_squeeze %dma_wait3A_641 : memref<1x1x8x128xf32, #tpu.memory_space<vmem>> -> memref<8x128xf32, #tpu.memory_space<vmem>>
        %dma_wait3A_643 = arith.constant 0 : i32
        %dma_wait3A_644 = arith.constant 0 : i32
        %dma_wait3A_645 = tpu.memref_slice %arg5[%div3A_407, %dma_wait3A_638, %rem3A_409, %dma_wait3A_643, %dma_wait3A_644] : memref<200x8x32x8x128xf32, #tpu.memory_space<hbm>> -> memref<1x1x1x8x128xf32, #tpu.memory_space<hbm>>
        %dma_wait3A_646 = tpu.memref_squeeze %dma_wait3A_645 : memref<1x1x1x8x128xf32, #tpu.memory_space<hbm>> -> memref<8x128xf32, #tpu.memory_space<hbm>>
        %dma_wait3A_647 = tpu.memref_slice %arg11[%rem3A_413] : memref<2x!tpu.dma_semaphore, #tpu.memory_space<semaphore_mem>> -> memref<1x!tpu.dma_semaphore, #tpu.memory_space<semaphore_mem>>
        %dma_wait3A_648 = tpu.memref_squeeze %dma_wait3A_647 : memref<1x!tpu.dma_semaphore, #tpu.memory_space<semaphore_mem>> -> memref<!tpu.dma_semaphore, #tpu.memory_space<semaphore_mem>>
        %dma_wait3A_649 = arith.constant 0 : i32
        %dma_wait3A_650 = arith.constant 0 : i32
        %dma_wait3A_651 = tpu.memref_slice %arg5[%div3A_407, %dma_wait3A_638, %rem3A_409, %dma_wait3A_649, %dma_wait3A_650] : memref<200x8x32x8x128xf32, #tpu.memory_space<hbm>> -> memref<1x1x1x8x128xf32, #tpu.memory_space<hbm>>
        %dma_wait3A_652 = tpu.memref_squeeze %dma_wait3A_651 : memref<1x1x1x8x128xf32, #tpu.memory_space<hbm>> -> memref<8x128xf32, #tpu.memory_space<hbm>>
        %dma_wait3A_653 = arith.constant 0 : i32
        %dma_wait3A_654 = arith.constant 0 : i32
        %dma_wait3A_655 = tpu.memref_slice %arg8[%rem3A_413, %dma_wait3A_637, %dma_wait3A_653, %dma_wait3A_654] : memref<2x8x8x128xf32, #tpu.memory_space<vmem>> -> memref<1x1x8x128xf32, #tpu.memory_space<vmem>>
        %dma_wait3A_656 = tpu.memref_squeeze %dma_wait3A_655 : memref<1x1x8x128xf32, #tpu.memory_space<vmem>> -> memref<8x128xf32, #tpu.memory_space<vmem>>
        tpu.wait_dma2 semaphore(%dma_wait3A_648 : memref<!tpu.dma_semaphore, #tpu.memory_space<semaphore_mem>>) src(%dma_wait3A_656 : memref<8x128xf32, #tpu.memory_space<vmem>>) dst(%dma_wait3A_652 : memref<8x128xf32, #tpu.memory_space<hbm>>)
        %dma_wait3A_657 = arith.constant 3 : i32
        %dma_wait3A_658 = arith.constant 3 : i32
        %dma_wait3A_659 = arith.constant 0 : i32
        %dma_wait3A_660 = arith.constant 0 : i32
        %dma_wait3A_661 = tpu.memref_slice %arg8[%rem3A_413, %dma_wait3A_657, %dma_wait3A_659, %dma_wait3A_660] : memref<2x8x8x128xf32, #tpu.memory_space<vmem>> -> memref<1x1x8x128xf32, #tpu.memory_space<vmem>>
        %dma_wait3A_662 = tpu.memref_squeeze %dma_wait3A_661 : memref<1x1x8x128xf32, #tpu.memory_space<vmem>> -> memref<8x128xf32, #tpu.memory_space<vmem>>
        %dma_wait3A_663 = arith.constant 0 : i32
        %dma_wait3A_664 = arith.constant 0 : i32
        %dma_wait3A_665 = tpu.memref_slice %arg5[%div3A_407, %dma_wait3A_658, %rem3A_409, %dma_wait3A_663, %dma_wait3A_664] : memref<200x8x32x8x128xf32, #tpu.memory_space<hbm>> -> memref<1x1x1x8x128xf32, #tpu.memory_space<hbm>>
        %dma_wait3A_666 = tpu.memref_squeeze %dma_wait3A_665 : memref<1x1x1x8x128xf32, #tpu.memory_space<hbm>> -> memref<8x128xf32, #tpu.memory_space<hbm>>
        %dma_wait3A_667 = tpu.memref_slice %arg11[%rem3A_413] : memref<2x!tpu.dma_semaphore, #tpu.memory_space<semaphore_mem>> -> memref<1x!tpu.dma_semaphore, #tpu.memory_space<semaphore_mem>>
        %dma_wait3A_668 = tpu.memref_squeeze %dma_wait3A_667 : memref<1x!tpu.dma_semaphore, #tpu.memory_space<semaphore_mem>> -> memref<!tpu.dma_semaphore, #tpu.memory_space<semaphore_mem>>
        %dma_wait3A_669 = arith.constant 0 : i32
        %dma_wait3A_670 = arith.constant 0 : i32
        %dma_wait3A_671 = tpu.memref_slice %arg5[%div3A_407, %dma_wait3A_658, %rem3A_409, %dma_wait3A_669, %dma_wait3A_670] : memref<200x8x32x8x128xf32, #tpu.memory_space<hbm>> -> memref<1x1x1x8x128xf32, #tpu.memory_space<hbm>>
        %dma_wait3A_672 = tpu.memref_squeeze %dma_wait3A_671 : memref<1x1x1x8x128xf32, #tpu.memory_space<hbm>> -> memref<8x128xf32, #tpu.memory_space<hbm>>
        %dma_wait3A_673 = arith.constant 0 : i32
        %dma_wait3A_674 = arith.constant 0 : i32
        %dma_wait3A_675 = tpu.memref_slice %arg8[%rem3A_413, %dma_wait3A_657, %dma_wait3A_673, %dma_wait3A_674] : memref<2x8x8x128xf32, #tpu.memory_space<vmem>> -> memref<1x1x8x128xf32, #tpu.memory_space<vmem>>
        %dma_wait3A_676 = tpu.memref_squeeze %dma_wait3A_675 : memref<1x1x8x128xf32, #tpu.memory_space<vmem>> -> memref<8x128xf32, #tpu.memory_space<vmem>>
        tpu.wait_dma2 semaphore(%dma_wait3A_668 : memref<!tpu.dma_semaphore, #tpu.memory_space<semaphore_mem>>) src(%dma_wait3A_676 : memref<8x128xf32, #tpu.memory_space<vmem>>) dst(%dma_wait3A_672 : memref<8x128xf32, #tpu.memory_space<hbm>>)
        %dma_wait3A_677 = arith.constant 4 : i32
        %dma_wait3A_678 = arith.constant 4 : i32
        %dma_wait3A_679 = arith.constant 0 : i32
        %dma_wait3A_680 = arith.constant 0 : i32
        %dma_wait3A_681 = tpu.memref_slice %arg8[%rem3A_413, %dma_wait3A_677, %dma_wait3A_679, %dma_wait3A_680] : memref<2x8x8x128xf32, #tpu.memory_space<vmem>> -> memref<1x1x8x128xf32, #tpu.memory_space<vmem>>
        %dma_wait3A_682 = tpu.memref_squeeze %dma_wait3A_681 : memref<1x1x8x128xf32, #tpu.memory_space<vmem>> -> memref<8x128xf32, #tpu.memory_space<vmem>>
        %dma_wait3A_683 = arith.constant 0 : i32
        %dma_wait3A_684 = arith.constant 0 : i32
        %dma_wait3A_685 = tpu.memref_slice %arg5[%div3A_407, %dma_wait3A_678, %rem3A_409, %dma_wait3A_683, %dma_wait3A_684] : memref<200x8x32x8x128xf32, #tpu.memory_space<hbm>> -> memref<1x1x1x8x128xf32, #tpu.memory_space<hbm>>
        %dma_wait3A_686 = tpu.memref_squeeze %dma_wait3A_685 : memref<1x1x1x8x128xf32, #tpu.memory_space<hbm>> -> memref<8x128xf32, #tpu.memory_space<hbm>>
        %dma_wait3A_687 = tpu.memref_slice %arg11[%rem3A_413] : memref<2x!tpu.dma_semaphore, #tpu.memory_space<semaphore_mem>> -> memref<1x!tpu.dma_semaphore, #tpu.memory_space<semaphore_mem>>
        %dma_wait3A_688 = tpu.memref_squeeze %dma_wait3A_687 : memref<1x!tpu.dma_semaphore, #tpu.memory_space<semaphore_mem>> -> memref<!tpu.dma_semaphore, #tpu.memory_space<semaphore_mem>>
        %dma_wait3A_689 = arith.constant 0 : i32
        %dma_wait3A_690 = arith.constant 0 : i32
        %dma_wait3A_691 = tpu.memref_slice %arg5[%div3A_407, %dma_wait3A_678, %rem3A_409, %dma_wait3A_689, %dma_wait3A_690] : memref<200x8x32x8x128xf32, #tpu.memory_space<hbm>> -> memref<1x1x1x8x128xf32, #tpu.memory_space<hbm>>
        %dma_wait3A_692 = tpu.memref_squeeze %dma_wait3A_691 : memref<1x1x1x8x128xf32, #tpu.memory_space<hbm>> -> memref<8x128xf32, #tpu.memory_space<hbm>>
        %dma_wait3A_693 = arith.constant 0 : i32
        %dma_wait3A_694 = arith.constant 0 : i32
        %dma_wait3A_695 = tpu.memref_slice %arg8[%rem3A_413, %dma_wait3A_677, %dma_wait3A_693, %dma_wait3A_694] : memref<2x8x8x128xf32, #tpu.memory_space<vmem>> -> memref<1x1x8x128xf32, #tpu.memory_space<vmem>>
        %dma_wait3A_696 = tpu.memref_squeeze %dma_wait3A_695 : memref<1x1x8x128xf32, #tpu.memory_space<vmem>> -> memref<8x128xf32, #tpu.memory_space<vmem>>
        tpu.wait_dma2 semaphore(%dma_wait3A_688 : memref<!tpu.dma_semaphore, #tpu.memory_space<semaphore_mem>>) src(%dma_wait3A_696 : memref<8x128xf32, #tpu.memory_space<vmem>>) dst(%dma_wait3A_692 : memref<8x128xf32, #tpu.memory_space<hbm>>)
        %dma_wait3A_697 = arith.constant 5 : i32
        %dma_wait3A_698 = arith.constant 5 : i32
        %dma_wait3A_699 = arith.constant 0 : i32
        %dma_wait3A_700 = arith.constant 0 : i32
        %dma_wait3A_701 = tpu.memref_slice %arg8[%rem3A_413, %dma_wait3A_697, %dma_wait3A_699, %dma_wait3A_700] : memref<2x8x8x128xf32, #tpu.memory_space<vmem>> -> memref<1x1x8x128xf32, #tpu.memory_space<vmem>>
        %dma_wait3A_702 = tpu.memref_squeeze %dma_wait3A_701 : memref<1x1x8x128xf32, #tpu.memory_space<vmem>> -> memref<8x128xf32, #tpu.memory_space<vmem>>
        %dma_wait3A_703 = arith.constant 0 : i32
        %dma_wait3A_704 = arith.constant 0 : i32
        %dma_wait3A_705 = tpu.memref_slice %arg5[%div3A_407, %dma_wait3A_698, %rem3A_409, %dma_wait3A_703, %dma_wait3A_704] : memref<200x8x32x8x128xf32, #tpu.memory_space<hbm>> -> memref<1x1x1x8x128xf32, #tpu.memory_space<hbm>>
        %dma_wait3A_706 = tpu.memref_squeeze %dma_wait3A_705 : memref<1x1x1x8x128xf32, #tpu.memory_space<hbm>> -> memref<8x128xf32, #tpu.memory_space<hbm>>
        %dma_wait3A_707 = tpu.memref_slice %arg11[%rem3A_413] : memref<2x!tpu.dma_semaphore, #tpu.memory_space<semaphore_mem>> -> memref<1x!tpu.dma_semaphore, #tpu.memory_space<semaphore_mem>>
        %dma_wait3A_708 = tpu.memref_squeeze %dma_wait3A_707 : memref<1x!tpu.dma_semaphore, #tpu.memory_space<semaphore_mem>> -> memref<!tpu.dma_semaphore, #tpu.memory_space<semaphore_mem>>
        %dma_wait3A_709 = arith.constant 0 : i32
        %dma_wait3A_710 = arith.constant 0 : i32
        %dma_wait3A_711 = tpu.memref_slice %arg5[%div3A_407, %dma_wait3A_698, %rem3A_409, %dma_wait3A_709, %dma_wait3A_710] : memref<200x8x32x8x128xf32, #tpu.memory_space<hbm>> -> memref<1x1x1x8x128xf32, #tpu.memory_space<hbm>>
        %dma_wait3A_712 = tpu.memref_squeeze %dma_wait3A_711 : memref<1x1x1x8x128xf32, #tpu.memory_space<hbm>> -> memref<8x128xf32, #tpu.memory_space<hbm>>
        %dma_wait3A_713 = arith.constant 0 : i32
        %dma_wait3A_714 = arith.constant 0 : i32
        %dma_wait3A_715 = tpu.memref_slice %arg8[%rem3A_413, %dma_wait3A_697, %dma_wait3A_713, %dma_wait3A_714] : memref<2x8x8x128xf32, #tpu.memory_space<vmem>> -> memref<1x1x8x128xf32, #tpu.memory_space<vmem>>
        %dma_wait3A_716 = tpu.memref_squeeze %dma_wait3A_715 : memref<1x1x8x128xf32, #tpu.memory_space<vmem>> -> memref<8x128xf32, #tpu.memory_space<vmem>>
        tpu.wait_dma2 semaphore(%dma_wait3A_708 : memref<!tpu.dma_semaphore, #tpu.memory_space<semaphore_mem>>) src(%dma_wait3A_716 : memref<8x128xf32, #tpu.memory_space<vmem>>) dst(%dma_wait3A_712 : memref<8x128xf32, #tpu.memory_space<hbm>>)
        %dma_wait3A_717 = arith.constant 6 : i32
        %dma_wait3A_718 = arith.constant 6 : i32
        %dma_wait3A_719 = arith.constant 0 : i32
        %dma_wait3A_720 = arith.constant 0 : i32
        %dma_wait3A_721 = tpu.memref_slice %arg8[%rem3A_413, %dma_wait3A_717, %dma_wait3A_719, %dma_wait3A_720] : memref<2x8x8x128xf32, #tpu.memory_space<vmem>> -> memref<1x1x8x128xf32, #tpu.memory_space<vmem>>
        %dma_wait3A_722 = tpu.memref_squeeze %dma_wait3A_721 : memref<1x1x8x128xf32, #tpu.memory_space<vmem>> -> memref<8x128xf32, #tpu.memory_space<vmem>>
        %dma_wait3A_723 = arith.constant 0 : i32
        %dma_wait3A_724 = arith.constant 0 : i32
        %dma_wait3A_725 = tpu.memref_slice %arg5[%div3A_407, %dma_wait3A_718, %rem3A_409, %dma_wait3A_723, %dma_wait3A_724] : memref<200x8x32x8x128xf32, #tpu.memory_space<hbm>> -> memref<1x1x1x8x128xf32, #tpu.memory_space<hbm>>
        %dma_wait3A_726 = tpu.memref_squeeze %dma_wait3A_725 : memref<1x1x1x8x128xf32, #tpu.memory_space<hbm>> -> memref<8x128xf32, #tpu.memory_space<hbm>>
        %dma_wait3A_727 = tpu.memref_slice %arg11[%rem3A_413] : memref<2x!tpu.dma_semaphore, #tpu.memory_space<semaphore_mem>> -> memref<1x!tpu.dma_semaphore, #tpu.memory_space<semaphore_mem>>
        %dma_wait3A_728 = tpu.memref_squeeze %dma_wait3A_727 : memref<1x!tpu.dma_semaphore, #tpu.memory_space<semaphore_mem>> -> memref<!tpu.dma_semaphore, #tpu.memory_space<semaphore_mem>>
        %dma_wait3A_729 = arith.constant 0 : i32
        %dma_wait3A_730 = arith.constant 0 : i32
        %dma_wait3A_731 = tpu.memref_slice %arg5[%div3A_407, %dma_wait3A_718, %rem3A_409, %dma_wait3A_729, %dma_wait3A_730] : memref<200x8x32x8x128xf32, #tpu.memory_space<hbm>> -> memref<1x1x1x8x128xf32, #tpu.memory_space<hbm>>
        %dma_wait3A_732 = tpu.memref_squeeze %dma_wait3A_731 : memref<1x1x1x8x128xf32, #tpu.memory_space<hbm>> -> memref<8x128xf32, #tpu.memory_space<hbm>>
        %dma_wait3A_733 = arith.constant 0 : i32
        %dma_wait3A_734 = arith.constant 0 : i32
        %dma_wait3A_735 = tpu.memref_slice %arg8[%rem3A_413, %dma_wait3A_717, %dma_wait3A_733, %dma_wait3A_734] : memref<2x8x8x128xf32, #tpu.memory_space<vmem>> -> memref<1x1x8x128xf32, #tpu.memory_space<vmem>>
        %dma_wait3A_736 = tpu.memref_squeeze %dma_wait3A_735 : memref<1x1x8x128xf32, #tpu.memory_space<vmem>> -> memref<8x128xf32, #tpu.memory_space<vmem>>
        tpu.wait_dma2 semaphore(%dma_wait3A_728 : memref<!tpu.dma_semaphore, #tpu.memory_space<semaphore_mem>>) src(%dma_wait3A_736 : memref<8x128xf32, #tpu.memory_space<vmem>>) dst(%dma_wait3A_732 : memref<8x128xf32, #tpu.memory_space<hbm>>)
        %dma_wait3A_737 = arith.constant 7 : i32
        %dma_wait3A_738 = arith.constant 7 : i32
        %dma_wait3A_739 = arith.constant 0 : i32
        %dma_wait3A_740 = arith.constant 0 : i32
        %dma_wait3A_741 = tpu.memref_slice %arg8[%rem3A_413, %dma_wait3A_737, %dma_wait3A_739, %dma_wait3A_740] : memref<2x8x8x128xf32, #tpu.memory_space<vmem>> -> memref<1x1x8x128xf32, #tpu.memory_space<vmem>>
        %dma_wait3A_742 = tpu.memref_squeeze %dma_wait3A_741 : memref<1x1x8x128xf32, #tpu.memory_space<vmem>> -> memref<8x128xf32, #tpu.memory_space<vmem>>
        %dma_wait3A_743 = arith.constant 0 : i32
        %dma_wait3A_744 = arith.constant 0 : i32
        %dma_wait3A_745 = tpu.memref_slice %arg5[%div3A_407, %dma_wait3A_738, %rem3A_409, %dma_wait3A_743, %dma_wait3A_744] : memref<200x8x32x8x128xf32, #tpu.memory_space<hbm>> -> memref<1x1x1x8x128xf32, #tpu.memory_space<hbm>>
        %dma_wait3A_746 = tpu.memref_squeeze %dma_wait3A_745 : memref<1x1x1x8x128xf32, #tpu.memory_space<hbm>> -> memref<8x128xf32, #tpu.memory_space<hbm>>
        %dma_wait3A_747 = tpu.memref_slice %arg11[%rem3A_413] : memref<2x!tpu.dma_semaphore, #tpu.memory_space<semaphore_mem>> -> memref<1x!tpu.dma_semaphore, #tpu.memory_space<semaphore_mem>>
        %dma_wait3A_748 = tpu.memref_squeeze %dma_wait3A_747 : memref<1x!tpu.dma_semaphore, #tpu.memory_space<semaphore_mem>> -> memref<!tpu.dma_semaphore, #tpu.memory_space<semaphore_mem>>
        %dma_wait3A_749 = arith.constant 0 : i32
        %dma_wait3A_750 = arith.constant 0 : i32
        %dma_wait3A_751 = tpu.memref_slice %arg5[%div3A_407, %dma_wait3A_738, %rem3A_409, %dma_wait3A_749, %dma_wait3A_750] : memref<200x8x32x8x128xf32, #tpu.memory_space<hbm>> -> memref<1x1x1x8x128xf32, #tpu.memory_space<hbm>>
        %dma_wait3A_752 = tpu.memref_squeeze %dma_wait3A_751 : memref<1x1x1x8x128xf32, #tpu.memory_space<hbm>> -> memref<8x128xf32, #tpu.memory_space<hbm>>
        %dma_wait3A_753 = arith.constant 0 : i32
        %dma_wait3A_754 = arith.constant 0 : i32
        %dma_wait3A_755 = tpu.memref_slice %arg8[%rem3A_413, %dma_wait3A_737, %dma_wait3A_753, %dma_wait3A_754] : memref<2x8x8x128xf32, #tpu.memory_space<vmem>> -> memref<1x1x8x128xf32, #tpu.memory_space<vmem>>
        %dma_wait3A_756 = tpu.memref_squeeze %dma_wait3A_755 : memref<1x1x8x128xf32, #tpu.memory_space<vmem>> -> memref<8x128xf32, #tpu.memory_space<vmem>>
        tpu.wait_dma2 semaphore(%dma_wait3A_748 : memref<!tpu.dma_semaphore, #tpu.memory_space<semaphore_mem>>) src(%dma_wait3A_756 : memref<8x128xf32, #tpu.memory_space<vmem>>) dst(%dma_wait3A_752 : memref<8x128xf32, #tpu.memory_space<hbm>>)
      } else {
      }
      %iota3A = tpu.iota {dimensions = array<i32: 0>} : vector<16xi32>
      %broadcast_in_dim3A = vector.broadcast %div3A_407 : i32 to vector<16xi32>
      %parallel_loop3A_428 = arith.constant 0 : i32
      %parallel_loop3A_429 = arith.constant 64 : i32
      %parallel_loop3A_430 = arith.constant 1 : i32
      scf.for %parallel_loop3A_597 = %parallel_loop3A_428 to %parallel_loop3A_429 step %parallel_loop3A_430  : i32 {
        %parallel_loop3A_598 = arith.constant 8 : i32
        %parallel_loop3A_599 = arith.divsi %parallel_loop3A_597, %parallel_loop3A_598 : i32
        %parallel_loop3A_600 = arith.constant 8 : i32
        %parallel_loop3A_601 = arith.remsi %parallel_loop3A_597, %parallel_loop3A_600 : i32
        %parallel_loop3A_602 = vector.broadcast %rem3A_411 : i32 to vector<16xi32>
        %parallel_loop3A_603 = vector.broadcast %parallel_loop3A_597 : i32 to vector<16xi32>
        %parallel_loop3A_604 = tpu.vector_load_idx %arg9[%broadcast_in_dim3A, %parallel_loop3A_603] : memref<200x64xf32, #tpu.memory_space<vmem>>[vector<16xi32>, vector<16xi32>], vector<16xf32>,
        %parallel_loop3A_605 = arith.constant 0 : i32
        %parallel_loop3A_606 = vector.broadcast %parallel_loop3A_605 : i32 to vector<16xi32>
        %parallel_loop3A_607 = arith.addi %iota3A, %parallel_loop3A_606 : vector<16xi32>
        %parallel_loop3A_608 = tpu.vector_load_idx %arg7[%parallel_loop3A_602, %parallel_loop3A_607, %parallel_loop3A_603] : memref<3x128x64xf32, #tpu.memory_space<vmem>>[vector<16xi32>, vector<16xi32>, vector<16xi32>], vector<16xf32>,
        %parallel_loop3A_609 = arith.addf %parallel_loop3A_608, %parallel_loop3A_604 : vector<16xf32>
        %parallel_loop3A_610 = arith.index_cast %rem3A_413 : i32 to index
        %parallel_loop3A_611 = arith.index_cast %parallel_loop3A_599 : i32 to index
        %parallel_loop3A_612 = arith.index_cast %parallel_loop3A_601 : i32 to index
        %parallel_loop3A_613 = arith.constant 0 : index
        %parallel_loop3A_614 = tpu.vector_load %arg8[%parallel_loop3A_610, %parallel_loop3A_611, %parallel_loop3A_612, %parallel_loop3A_613] {strides = array<i32>} : memref<2x8x8x128xf32, #tpu.memory_space<vmem>>, vector<16xf32>,
        tpu.vector_store %arg8[%parallel_loop3A_610, %parallel_loop3A_611, %parallel_loop3A_612, %parallel_loop3A_613], %parallel_loop3A_609 {strides = array<i32>} : memref<2x8x8x128xf32, #tpu.memory_space<vmem>>, vector<16xf32>,
        %parallel_loop3A_615 = arith.constant 16 : i32
        %parallel_loop3A_616 = vector.broadcast %parallel_loop3A_615 : i32 to vector<16xi32>
        %parallel_loop3A_617 = arith.addi %iota3A, %parallel_loop3A_616 : vector<16xi32>
        %parallel_loop3A_618 = tpu.vector_load_idx %arg7[%parallel_loop3A_602, %parallel_loop3A_617, %parallel_loop3A_603] : memref<3x128x64xf32, #tpu.memory_space<vmem>>[vector<16xi32>, vector<16xi32>, vector<16xi32>], vector<16xf32>,
        %parallel_loop3A_619 = arith.addf %parallel_loop3A_618, %parallel_loop3A_604 : vector<16xf32>
        %parallel_loop3A_620 = arith.index_cast %rem3A_413 : i32 to index
        %parallel_loop3A_621 = arith.index_cast %parallel_loop3A_599 : i32 to index
        %parallel_loop3A_622 = arith.index_cast %parallel_loop3A_601 : i32 to index
        %parallel_loop3A_623 = arith.constant 16 : index
        %parallel_loop3A_624 = tpu.vector_load %arg8[%parallel_loop3A_620, %parallel_loop3A_621, %parallel_loop3A_622, %parallel_loop3A_623] {strides = array<i32>} : memref<2x8x8x128xf32, #tpu.memory_space<vmem>>, vector<16xf32>,
        tpu.vector_store %arg8[%parallel_loop3A_620, %parallel_loop3A_621, %parallel_loop3A_622, %parallel_loop3A_623], %parallel_loop3A_619 {strides = array<i32>} : memref<2x8x8x128xf32, #tpu.memory_space<vmem>>, vector<16xf32>,
        %parallel_loop3A_625 = arith.constant 32 : i32
        %parallel_loop3A_626 = vector.broadcast %parallel_loop3A_625 : i32 to vector<16xi32>
        %parallel_loop3A_627 = arith.addi %iota3A, %parallel_loop3A_626 : vector<16xi32>
        %parallel_loop3A_628 = tpu.vector_load_idx %arg7[%parallel_loop3A_602, %parallel_loop3A_627, %parallel_loop3A_603] : memref<3x128x64xf32, #tpu.memory_space<vmem>>[vector<16xi32>, vector<16xi32>, vector<16xi32>], vector<16xf32>,
        %parallel_loop3A_629 = arith.addf %parallel_loop3A_628, %parallel_loop3A_604 : vector<16xf32>
        %parallel_loop3A_630 = arith.index_cast %rem3A_413 : i32 to index
        %parallel_loop3A_631 = arith.index_cast %parallel_loop3A_599 : i32 to index
        %parallel_loop3A_632 = arith.index_cast %parallel_loop3A_601 : i32 to index
        %parallel_loop3A_633 = arith.constant 32 : index
        %parallel_loop3A_634 = tpu.vector_load %arg8[%parallel_loop3A_630, %parallel_loop3A_631, %parallel_loop3A_632, %parallel_loop3A_633] {strides = array<i32>} : memref<2x8x8x128xf32, #tpu.memory_space<vmem>>, vector<16xf32>,
        tpu.vector_store %arg8[%parallel_loop3A_630, %parallel_loop3A_631, %parallel_loop3A_632, %parallel_loop3A_633], %parallel_loop3A_629 {strides = array<i32>} : memref<2x8x8x128xf32, #tpu.memory_space<vmem>>, vector<16xf32>,
        %parallel_loop3A_635 = arith.constant 48 : i32
        %parallel_loop3A_636 = vector.broadcast %parallel_loop3A_635 : i32 to vector<16xi32>
        %parallel_loop3A_637 = arith.addi %iota3A, %parallel_loop3A_636 : vector<16xi32>
        %parallel_loop3A_638 = tpu.vector_load_idx %arg7[%parallel_loop3A_602, %parallel_loop3A_637, %parallel_loop3A_603] : memref<3x128x64xf32, #tpu.memory_space<vmem>>[vector<16xi32>, vector<16xi32>, vector<16xi32>], vector<16xf32>,
        %parallel_loop3A_639 = arith.addf %parallel_loop3A_638, %parallel_loop3A_604 : vector<16xf32>
        %parallel_loop3A_640 = arith.index_cast %rem3A_413 : i32 to index
        %parallel_loop3A_641 = arith.index_cast %parallel_loop3A_599 : i32 to index
        %parallel_loop3A_642 = arith.index_cast %parallel_loop3A_601 : i32 to index
        %parallel_loop3A_643 = arith.constant 48 : index
        %parallel_loop3A_644 = tpu.vector_load %arg8[%parallel_loop3A_640, %parallel_loop3A_641, %parallel_loop3A_642, %parallel_loop3A_643] {strides = array<i32>} : memref<2x8x8x128xf32, #tpu.memory_space<vmem>>, vector<16xf32>,
        tpu.vector_store %arg8[%parallel_loop3A_640, %parallel_loop3A_641, %parallel_loop3A_642, %parallel_loop3A_643], %parallel_loop3A_639 {strides = array<i32>} : memref<2x8x8x128xf32, #tpu.memory_space<vmem>>, vector<16xf32>,
        %parallel_loop3A_645 = arith.constant 64 : i32
        %parallel_loop3A_646 = vector.broadcast %parallel_loop3A_645 : i32 to vector<16xi32>
        %parallel_loop3A_647 = arith.addi %iota3A, %parallel_loop3A_646 : vector<16xi32>
        %parallel_loop3A_648 = tpu.vector_load_idx %arg7[%parallel_loop3A_602, %parallel_loop3A_647, %parallel_loop3A_603] : memref<3x128x64xf32, #tpu.memory_space<vmem>>[vector<16xi32>, vector<16xi32>, vector<16xi32>], vector<16xf32>,
        %parallel_loop3A_649 = arith.addf %parallel_loop3A_648, %parallel_loop3A_604 : vector<16xf32>
        %parallel_loop3A_650 = arith.index_cast %rem3A_413 : i32 to index
        %parallel_loop3A_651 = arith.index_cast %parallel_loop3A_599 : i32 to index
        %parallel_loop3A_652 = arith.index_cast %parallel_loop3A_601 : i32 to index
        %parallel_loop3A_653 = arith.constant 64 : index
        %parallel_loop3A_654 = tpu.vector_load %arg8[%parallel_loop3A_650, %parallel_loop3A_651, %parallel_loop3A_652, %parallel_loop3A_653] {strides = array<i32>} : memref<2x8x8x128xf32, #tpu.memory_space<vmem>>, vector<16xf32>,
        tpu.vector_store %arg8[%parallel_loop3A_650, %parallel_loop3A_651, %parallel_loop3A_652, %parallel_loop3A_653], %parallel_loop3A_649 {strides = array<i32>} : memref<2x8x8x128xf32, #tpu.memory_space<vmem>>, vector<16xf32>,
        %parallel_loop3A_655 = arith.constant 80 : i32
        %parallel_loop3A_656 = vector.broadcast %parallel_loop3A_655 : i32 to vector<16xi32>
        %parallel_loop3A_657 = arith.addi %iota3A, %parallel_loop3A_656 : vector<16xi32>
        %parallel_loop3A_658 = tpu.vector_load_idx %arg7[%parallel_loop3A_602, %parallel_loop3A_657, %parallel_loop3A_603] : memref<3x128x64xf32, #tpu.memory_space<vmem>>[vector<16xi32>, vector<16xi32>, vector<16xi32>], vector<16xf32>,
        %parallel_loop3A_659 = arith.addf %parallel_loop3A_658, %parallel_loop3A_604 : vector<16xf32>
        %parallel_loop3A_660 = arith.index_cast %rem3A_413 : i32 to index
        %parallel_loop3A_661 = arith.index_cast %parallel_loop3A_599 : i32 to index
        %parallel_loop3A_662 = arith.index_cast %parallel_loop3A_601 : i32 to index
        %parallel_loop3A_663 = arith.constant 80 : index
        %parallel_loop3A_664 = tpu.vector_load %arg8[%parallel_loop3A_660, %parallel_loop3A_661, %parallel_loop3A_662, %parallel_loop3A_663] {strides = array<i32>} : memref<2x8x8x128xf32, #tpu.memory_space<vmem>>, vector<16xf32>,
        tpu.vector_store %arg8[%parallel_loop3A_660, %parallel_loop3A_661, %parallel_loop3A_662, %parallel_loop3A_663], %parallel_loop3A_659 {strides = array<i32>} : memref<2x8x8x128xf32, #tpu.memory_space<vmem>>, vector<16xf32>,
        %parallel_loop3A_665 = arith.constant 96 : i32
        %parallel_loop3A_666 = vector.broadcast %parallel_loop3A_665 : i32 to vector<16xi32>
        %parallel_loop3A_667 = arith.addi %iota3A, %parallel_loop3A_666 : vector<16xi32>
        %parallel_loop3A_668 = tpu.vector_load_idx %arg7[%parallel_loop3A_602, %parallel_loop3A_667, %parallel_loop3A_603] : memref<3x128x64xf32, #tpu.memory_space<vmem>>[vector<16xi32>, vector<16xi32>, vector<16xi32>], vector<16xf32>,
        %parallel_loop3A_669 = arith.addf %parallel_loop3A_668, %parallel_loop3A_604 : vector<16xf32>
        %parallel_loop3A_670 = arith.index_cast %rem3A_413 : i32 to index
        %parallel_loop3A_671 = arith.index_cast %parallel_loop3A_599 : i32 to index
        %parallel_loop3A_672 = arith.index_cast %parallel_loop3A_601 : i32 to index
        %parallel_loop3A_673 = arith.constant 96 : index
        %parallel_loop3A_674 = tpu.vector_load %arg8[%parallel_loop3A_670, %parallel_loop3A_671, %parallel_loop3A_672, %parallel_loop3A_673] {strides = array<i32>} : memref<2x8x8x128xf32, #tpu.memory_space<vmem>>, vector<16xf32>,
        tpu.vector_store %arg8[%parallel_loop3A_670, %parallel_loop3A_671, %parallel_loop3A_672, %parallel_loop3A_673], %parallel_loop3A_669 {strides = array<i32>} : memref<2x8x8x128xf32, #tpu.memory_space<vmem>>, vector<16xf32>,
        %parallel_loop3A_675 = arith.constant 112 : i32
        %parallel_loop3A_676 = vector.broadcast %parallel_loop3A_675 : i32 to vector<16xi32>
        %parallel_loop3A_677 = arith.addi %iota3A, %parallel_loop3A_676 : vector<16xi32>
        %parallel_loop3A_678 = tpu.vector_load_idx %arg7[%parallel_loop3A_602, %parallel_loop3A_677, %parallel_loop3A_603] : memref<3x128x64xf32, #tpu.memory_space<vmem>>[vector<16xi32>, vector<16xi32>, vector<16xi32>], vector<16xf32>,
        %parallel_loop3A_679 = arith.addf %parallel_loop3A_678, %parallel_loop3A_604 : vector<16xf32>
        %parallel_loop3A_680 = arith.index_cast %rem3A_413 : i32 to index
        %parallel_loop3A_681 = arith.index_cast %parallel_loop3A_599 : i32 to index
        %parallel_loop3A_682 = arith.index_cast %parallel_loop3A_601 : i32 to index
        %parallel_loop3A_683 = arith.constant 112 : index
        %parallel_loop3A_684 = tpu.vector_load %arg8[%parallel_loop3A_680, %parallel_loop3A_681, %parallel_loop3A_682, %parallel_loop3A_683] {strides = array<i32>} : memref<2x8x8x128xf32, #tpu.memory_space<vmem>>, vector<16xf32>,
        tpu.vector_store %arg8[%parallel_loop3A_680, %parallel_loop3A_681, %parallel_loop3A_682, %parallel_loop3A_683], %parallel_loop3A_679 {strides = array<i32>} : memref<2x8x8x128xf32, #tpu.memory_space<vmem>>, vector<16xf32>,
      } {sc.loop_unroll_factor = 2 : i64, sc.parallel_access}
      %dma_start3A_431 = arith.constant 0 : i32
      %dma_start3A_432 = arith.constant 0 : i32
      %dma_start3A_433 = arith.constant 0 : i32
      %dma_start3A_434 = arith.constant 0 : i32
      %dma_start3A_435 = tpu.memref_slice %arg8[%rem3A_413, %dma_start3A_431, %dma_start3A_433, %dma_start3A_434] : memref<2x8x8x128xf32, #tpu.memory_space<vmem>> -> memref<1x1x8x128xf32, #tpu.memory_space<vmem>>
      %dma_start3A_436 = tpu.memref_squeeze %dma_start3A_435 : memref<1x1x8x128xf32, #tpu.memory_space<vmem>> -> memref<8x128xf32, #tpu.memory_space<vmem>>
      %dma_start3A_437 = arith.constant 0 : i32
      %dma_start3A_438 = arith.constant 0 : i32
      %dma_start3A_439 = tpu.memref_slice %arg5[%div3A_407, %dma_start3A_432, %rem3A_409, %dma_start3A_437, %dma_start3A_438] : memref<200x8x32x8x128xf32, #tpu.memory_space<hbm>> -> memref<1x1x1x8x128xf32, #tpu.memory_space<hbm>>
      %dma_start3A_440 = tpu.memref_squeeze %dma_start3A_439 : memref<1x1x1x8x128xf32, #tpu.memory_space<hbm>> -> memref<8x128xf32, #tpu.memory_space<hbm>>
      %dma_start3A_441 = tpu.memref_slice %arg11[%rem3A_413] : memref<2x!tpu.dma_semaphore, #tpu.memory_space<semaphore_mem>> -> memref<1x!tpu.dma_semaphore, #tpu.memory_space<semaphore_mem>>
      %dma_start3A_442 = tpu.memref_squeeze %dma_start3A_441 : memref<1x!tpu.dma_semaphore, #tpu.memory_space<semaphore_mem>> -> memref<!tpu.dma_semaphore, #tpu.memory_space<semaphore_mem>>
      %dma_start3A_443 = arith.constant 0 : i32
      %dma_start3A_444 = arith.constant 0 : i32
      %dma_start3A_445 = tpu.memref_slice %arg5[%div3A_407, %dma_start3A_432, %rem3A_409, %dma_start3A_443, %dma_start3A_444] : memref<200x8x32x8x128xf32, #tpu.memory_space<hbm>> -> memref<1x1x1x8x128xf32, #tpu.memory_space<hbm>>
      %dma_start3A_446 = tpu.memref_squeeze %dma_start3A_445 : memref<1x1x1x8x128xf32, #tpu.memory_space<hbm>> -> memref<8x128xf32, #tpu.memory_space<hbm>>
      %dma_start3A_447 = arith.constant 0 : i32
      %dma_start3A_448 = arith.constant 0 : i32
      %dma_start3A_449 = tpu.memref_slice %arg8[%rem3A_413, %dma_start3A_431, %dma_start3A_447, %dma_start3A_448] : memref<2x8x8x128xf32, #tpu.memory_space<vmem>> -> memref<1x1x8x128xf32, #tpu.memory_space<vmem>>
      %dma_start3A_450 = tpu.memref_squeeze %dma_start3A_449 : memref<1x1x8x128xf32, #tpu.memory_space<vmem>> -> memref<8x128xf32, #tpu.memory_space<vmem>>
      tpu.enqueue_dma source(%dma_start3A_450 : memref<8x128xf32, #tpu.memory_space<vmem>>) target(%dma_start3A_446 : memref<8x128xf32, #tpu.memory_space<hbm>>) target_semaphore(%dma_start3A_442 : memref<!tpu.dma_semaphore, #tpu.memory_space<semaphore_mem>>)
      %dma_start3A_451 = arith.constant 1 : i32
      %dma_start3A_452 = arith.constant 1 : i32
      %dma_start3A_453 = arith.constant 0 : i32
      %dma_start3A_454 = arith.constant 0 : i32
      %dma_start3A_455 = tpu.memref_slice %arg8[%rem3A_413, %dma_start3A_451, %dma_start3A_453, %dma_start3A_454] : memref<2x8x8x128xf32, #tpu.memory_space<vmem>> -> memref<1x1x8x128xf32, #tpu.memory_space<vmem>>
      %dma_start3A_456 = tpu.memref_squeeze %dma_start3A_455 : memref<1x1x8x128xf32, #tpu.memory_space<vmem>> -> memref<8x128xf32, #tpu.memory_space<vmem>>
      %dma_start3A_457 = arith.constant 0 : i32
      %dma_start3A_458 = arith.constant 0 : i32
      %dma_start3A_459 = tpu.memref_slice %arg5[%div3A_407, %dma_start3A_452, %rem3A_409, %dma_start3A_457, %dma_start3A_458] : memref<200x8x32x8x128xf32, #tpu.memory_space<hbm>> -> memref<1x1x1x8x128xf32, #tpu.memory_space<hbm>>
      %dma_start3A_460 = tpu.memref_squeeze %dma_start3A_459 : memref<1x1x1x8x128xf32, #tpu.memory_space<hbm>> -> memref<8x128xf32, #tpu.memory_space<hbm>>
      %dma_start3A_461 = tpu.memref_slice %arg11[%rem3A_413] : memref<2x!tpu.dma_semaphore, #tpu.memory_space<semaphore_mem>> -> memref<1x!tpu.dma_semaphore, #tpu.memory_space<semaphore_mem>>
      %dma_start3A_462 = tpu.memref_squeeze %dma_start3A_461 : memref<1x!tpu.dma_semaphore, #tpu.memory_space<semaphore_mem>> -> memref<!tpu.dma_semaphore, #tpu.memory_space<semaphore_mem>>
      %dma_start3A_463 = arith.constant 0 : i32
      %dma_start3A_464 = arith.constant 0 : i32
      %dma_start3A_465 = tpu.memref_slice %arg5[%div3A_407, %dma_start3A_452, %rem3A_409, %dma_start3A_463, %dma_start3A_464] : memref<200x8x32x8x128xf32, #tpu.memory_space<hbm>> -> memref<1x1x1x8x128xf32, #tpu.memory_space<hbm>>
      %dma_start3A_466 = tpu.memref_squeeze %dma_start3A_465 : memref<1x1x1x8x128xf32, #tpu.memory_space<hbm>> -> memref<8x128xf32, #tpu.memory_space<hbm>>
      %dma_start3A_467 = arith.constant 0 : i32
      %dma_start3A_468 = arith.constant 0 : i32
      %dma_start3A_469 = tpu.memref_slice %arg8[%rem3A_413, %dma_start3A_451, %dma_start3A_467, %dma_start3A_468] : memref<2x8x8x128xf32, #tpu.memory_space<vmem>> -> memref<1x1x8x128xf32, #tpu.memory_space<vmem>>
      %dma_start3A_470 = tpu.memref_squeeze %dma_start3A_469 : memref<1x1x8x128xf32, #tpu.memory_space<vmem>> -> memref<8x128xf32, #tpu.memory_space<vmem>>
      tpu.enqueue_dma source(%dma_start3A_470 : memref<8x128xf32, #tpu.memory_space<vmem>>) target(%dma_start3A_466 : memref<8x128xf32, #tpu.memory_space<hbm>>) target_semaphore(%dma_start3A_462 : memref<!tpu.dma_semaphore, #tpu.memory_space<semaphore_mem>>)
      %dma_start3A_471 = arith.constant 2 : i32
      %dma_start3A_472 = arith.constant 2 : i32
      %dma_start3A_473 = arith.constant 0 : i32
      %dma_start3A_474 = arith.constant 0 : i32
      %dma_start3A_475 = tpu.memref_slice %arg8[%rem3A_413, %dma_start3A_471, %dma_start3A_473, %dma_start3A_474] : memref<2x8x8x128xf32, #tpu.memory_space<vmem>> -> memref<1x1x8x128xf32, #tpu.memory_space<vmem>>
      %dma_start3A_476 = tpu.memref_squeeze %dma_start3A_475 : memref<1x1x8x128xf32, #tpu.memory_space<vmem>> -> memref<8x128xf32, #tpu.memory_space<vmem>>
      %dma_start3A_477 = arith.constant 0 : i32
      %dma_start3A_478 = arith.constant 0 : i32
      %dma_start3A_479 = tpu.memref_slice %arg5[%div3A_407, %dma_start3A_472, %rem3A_409, %dma_start3A_477, %dma_start3A_478] : memref<200x8x32x8x128xf32, #tpu.memory_space<hbm>> -> memref<1x1x1x8x128xf32, #tpu.memory_space<hbm>>
      %dma_start3A_480 = tpu.memref_squeeze %dma_start3A_479 : memref<1x1x1x8x128xf32, #tpu.memory_space<hbm>> -> memref<8x128xf32, #tpu.memory_space<hbm>>
      %dma_start3A_481 = tpu.memref_slice %arg11[%rem3A_413] : memref<2x!tpu.dma_semaphore, #tpu.memory_space<semaphore_mem>> -> memref<1x!tpu.dma_semaphore, #tpu.memory_space<semaphore_mem>>
      %dma_start3A_482 = tpu.memref_squeeze %dma_start3A_481 : memref<1x!tpu.dma_semaphore, #tpu.memory_space<semaphore_mem>> -> memref<!tpu.dma_semaphore, #tpu.memory_space<semaphore_mem>>
      %dma_start3A_483 = arith.constant 0 : i32
      %dma_start3A_484 = arith.constant 0 : i32
      %dma_start3A_485 = tpu.memref_slice %arg5[%div3A_407, %dma_start3A_472, %rem3A_409, %dma_start3A_483, %dma_start3A_484] : memref<200x8x32x8x128xf32, #tpu.memory_space<hbm>> -> memref<1x1x1x8x128xf32, #tpu.memory_space<hbm>>
      %dma_start3A_486 = tpu.memref_squeeze %dma_start3A_485 : memref<1x1x1x8x128xf32, #tpu.memory_space<hbm>> -> memref<8x128xf32, #tpu.memory_space<hbm>>
      %dma_start3A_487 = arith.constant 0 : i32
      %dma_start3A_488 = arith.constant 0 : i32
      %dma_start3A_489 = tpu.memref_slice %arg8[%rem3A_413, %dma_start3A_471, %dma_start3A_487, %dma_start3A_488] : memref<2x8x8x128xf32, #tpu.memory_space<vmem>> -> memref<1x1x8x128xf32, #tpu.memory_space<vmem>>
      %dma_start3A_490 = tpu.memref_squeeze %dma_start3A_489 : memref<1x1x8x128xf32, #tpu.memory_space<vmem>> -> memref<8x128xf32, #tpu.memory_space<vmem>>
      tpu.enqueue_dma source(%dma_start3A_490 : memref<8x128xf32, #tpu.memory_space<vmem>>) target(%dma_start3A_486 : memref<8x128xf32, #tpu.memory_space<hbm>>) target_semaphore(%dma_start3A_482 : memref<!tpu.dma_semaphore, #tpu.memory_space<semaphore_mem>>)
      %dma_start3A_491 = arith.constant 3 : i32
      %dma_start3A_492 = arith.constant 3 : i32
      %dma_start3A_493 = arith.constant 0 : i32
      %dma_start3A_494 = arith.constant 0 : i32
      %dma_start3A_495 = tpu.memref_slice %arg8[%rem3A_413, %dma_start3A_491, %dma_start3A_493, %dma_start3A_494] : memref<2x8x8x128xf32, #tpu.memory_space<vmem>> -> memref<1x1x8x128xf32, #tpu.memory_space<vmem>>
      %dma_start3A_496 = tpu.memref_squeeze %dma_start3A_495 : memref<1x1x8x128xf32, #tpu.memory_space<vmem>> -> memref<8x128xf32, #tpu.memory_space<vmem>>
      %dma_start3A_497 = arith.constant 0 : i32
      %dma_start3A_498 = arith.constant 0 : i32
      %dma_start3A_499 = tpu.memref_slice %arg5[%div3A_407, %dma_start3A_492, %rem3A_409, %dma_start3A_497, %dma_start3A_498] : memref<200x8x32x8x128xf32, #tpu.memory_space<hbm>> -> memref<1x1x1x8x128xf32, #tpu.memory_space<hbm>>
      %dma_start3A_500 = tpu.memref_squeeze %dma_start3A_499 : memref<1x1x1x8x128xf32, #tpu.memory_space<hbm>> -> memref<8x128xf32, #tpu.memory_space<hbm>>
      %dma_start3A_501 = tpu.memref_slice %arg11[%rem3A_413] : memref<2x!tpu.dma_semaphore, #tpu.memory_space<semaphore_mem>> -> memref<1x!tpu.dma_semaphore, #tpu.memory_space<semaphore_mem>>
      %dma_start3A_502 = tpu.memref_squeeze %dma_start3A_501 : memref<1x!tpu.dma_semaphore, #tpu.memory_space<semaphore_mem>> -> memref<!tpu.dma_semaphore, #tpu.memory_space<semaphore_mem>>
      %dma_start3A_503 = arith.constant 0 : i32
      %dma_start3A_504 = arith.constant 0 : i32
      %dma_start3A_505 = tpu.memref_slice %arg5[%div3A_407, %dma_start3A_492, %rem3A_409, %dma_start3A_503, %dma_start3A_504] : memref<200x8x32x8x128xf32, #tpu.memory_space<hbm>> -> memref<1x1x1x8x128xf32, #tpu.memory_space<hbm>>
      %dma_start3A_506 = tpu.memref_squeeze %dma_start3A_505 : memref<1x1x1x8x128xf32, #tpu.memory_space<hbm>> -> memref<8x128xf32, #tpu.memory_space<hbm>>
      %dma_start3A_507 = arith.constant 0 : i32
      %dma_start3A_508 = arith.constant 0 : i32
      %dma_start3A_509 = tpu.memref_slice %arg8[%rem3A_413, %dma_start3A_491, %dma_start3A_507, %dma_start3A_508] : memref<2x8x8x128xf32, #tpu.memory_space<vmem>> -> memref<1x1x8x128xf32, #tpu.memory_space<vmem>>
      %dma_start3A_510 = tpu.memref_squeeze %dma_start3A_509 : memref<1x1x8x128xf32, #tpu.memory_space<vmem>> -> memref<8x128xf32, #tpu.memory_space<vmem>>
      tpu.enqueue_dma source(%dma_start3A_510 : memref<8x128xf32, #tpu.memory_space<vmem>>) target(%dma_start3A_506 : memref<8x128xf32, #tpu.memory_space<hbm>>) target_semaphore(%dma_start3A_502 : memref<!tpu.dma_semaphore, #tpu.memory_space<semaphore_mem>>)
      %dma_start3A_511 = arith.constant 4 : i32
      %dma_start3A_512 = arith.constant 4 : i32
      %dma_start3A_513 = arith.constant 0 : i32
      %dma_start3A_514 = arith.constant 0 : i32
      %dma_start3A_515 = tpu.memref_slice %arg8[%rem3A_413, %dma_start3A_511, %dma_start3A_513, %dma_start3A_514] : memref<2x8x8x128xf32, #tpu.memory_space<vmem>> -> memref<1x1x8x128xf32, #tpu.memory_space<vmem>>
      %dma_start3A_516 = tpu.memref_squeeze %dma_start3A_515 : memref<1x1x8x128xf32, #tpu.memory_space<vmem>> -> memref<8x128xf32, #tpu.memory_space<vmem>>
      %dma_start3A_517 = arith.constant 0 : i32
      %dma_start3A_518 = arith.constant 0 : i32
      %dma_start3A_519 = tpu.memref_slice %arg5[%div3A_407, %dma_start3A_512, %rem3A_409, %dma_start3A_517, %dma_start3A_518] : memref<200x8x32x8x128xf32, #tpu.memory_space<hbm>> -> memref<1x1x1x8x128xf32, #tpu.memory_space<hbm>>
      %dma_start3A_520 = tpu.memref_squeeze %dma_start3A_519 : memref<1x1x1x8x128xf32, #tpu.memory_space<hbm>> -> memref<8x128xf32, #tpu.memory_space<hbm>>
      %dma_start3A_521 = tpu.memref_slice %arg11[%rem3A_413] : memref<2x!tpu.dma_semaphore, #tpu.memory_space<semaphore_mem>> -> memref<1x!tpu.dma_semaphore, #tpu.memory_space<semaphore_mem>>
      %dma_start3A_522 = tpu.memref_squeeze %dma_start3A_521 : memref<1x!tpu.dma_semaphore, #tpu.memory_space<semaphore_mem>> -> memref<!tpu.dma_semaphore, #tpu.memory_space<semaphore_mem>>
      %dma_start3A_523 = arith.constant 0 : i32
      %dma_start3A_524 = arith.constant 0 : i32
      %dma_start3A_525 = tpu.memref_slice %arg5[%div3A_407, %dma_start3A_512, %rem3A_409, %dma_start3A_523, %dma_start3A_524] : memref<200x8x32x8x128xf32, #tpu.memory_space<hbm>> -> memref<1x1x1x8x128xf32, #tpu.memory_space<hbm>>
      %dma_start3A_526 = tpu.memref_squeeze %dma_start3A_525 : memref<1x1x1x8x128xf32, #tpu.memory_space<hbm>> -> memref<8x128xf32, #tpu.memory_space<hbm>>
      %dma_start3A_527 = arith.constant 0 : i32
      %dma_start3A_528 = arith.constant 0 : i32
      %dma_start3A_529 = tpu.memref_slice %arg8[%rem3A_413, %dma_start3A_511, %dma_start3A_527, %dma_start3A_528] : memref<2x8x8x128xf32, #tpu.memory_space<vmem>> -> memref<1x1x8x128xf32, #tpu.memory_space<vmem>>
      %dma_start3A_530 = tpu.memref_squeeze %dma_start3A_529 : memref<1x1x8x128xf32, #tpu.memory_space<vmem>> -> memref<8x128xf32, #tpu.memory_space<vmem>>
      tpu.enqueue_dma source(%dma_start3A_530 : memref<8x128xf32, #tpu.memory_space<vmem>>) target(%dma_start3A_526 : memref<8x128xf32, #tpu.memory_space<hbm>>) target_semaphore(%dma_start3A_522 : memref<!tpu.dma_semaphore, #tpu.memory_space<semaphore_mem>>)
      %dma_start3A_531 = arith.constant 5 : i32
      %dma_start3A_532 = arith.constant 5 : i32
      %dma_start3A_533 = arith.constant 0 : i32
      %dma_start3A_534 = arith.constant 0 : i32
      %dma_start3A_535 = tpu.memref_slice %arg8[%rem3A_413, %dma_start3A_531, %dma_start3A_533, %dma_start3A_534] : memref<2x8x8x128xf32, #tpu.memory_space<vmem>> -> memref<1x1x8x128xf32, #tpu.memory_space<vmem>>
      %dma_start3A_536 = tpu.memref_squeeze %dma_start3A_535 : memref<1x1x8x128xf32, #tpu.memory_space<vmem>> -> memref<8x128xf32, #tpu.memory_space<vmem>>
      %dma_start3A_537 = arith.constant 0 : i32
      %dma_start3A_538 = arith.constant 0 : i32
      %dma_start3A_539 = tpu.memref_slice %arg5[%div3A_407, %dma_start3A_532, %rem3A_409, %dma_start3A_537, %dma_start3A_538] : memref<200x8x32x8x128xf32, #tpu.memory_space<hbm>> -> memref<1x1x1x8x128xf32, #tpu.memory_space<hbm>>
      %dma_start3A_540 = tpu.memref_squeeze %dma_start3A_539 : memref<1x1x1x8x128xf32, #tpu.memory_space<hbm>> -> memref<8x128xf32, #tpu.memory_space<hbm>>
      %dma_start3A_541 = tpu.memref_slice %arg11[%rem3A_413] : memref<2x!tpu.dma_semaphore, #tpu.memory_space<semaphore_mem>> -> memref<1x!tpu.dma_semaphore, #tpu.memory_space<semaphore_mem>>
      %dma_start3A_542 = tpu.memref_squeeze %dma_start3A_541 : memref<1x!tpu.dma_semaphore, #tpu.memory_space<semaphore_mem>> -> memref<!tpu.dma_semaphore, #tpu.memory_space<semaphore_mem>>
      %dma_start3A_543 = arith.constant 0 : i32
      %dma_start3A_544 = arith.constant 0 : i32
      %dma_start3A_545 = tpu.memref_slice %arg5[%div3A_407, %dma_start3A_532, %rem3A_409, %dma_start3A_543, %dma_start3A_544] : memref<200x8x32x8x128xf32, #tpu.memory_space<hbm>> -> memref<1x1x1x8x128xf32, #tpu.memory_space<hbm>>
      %dma_start3A_546 = tpu.memref_squeeze %dma_start3A_545 : memref<1x1x1x8x128xf32, #tpu.memory_space<hbm>> -> memref<8x128xf32, #tpu.memory_space<hbm>>
      %dma_start3A_547 = arith.constant 0 : i32
      %dma_start3A_548 = arith.constant 0 : i32
      %dma_start3A_549 = tpu.memref_slice %arg8[%rem3A_413, %dma_start3A_531, %dma_start3A_547, %dma_start3A_548] : memref<2x8x8x128xf32, #tpu.memory_space<vmem>> -> memref<1x1x8x128xf32, #tpu.memory_space<vmem>>
      %dma_start3A_550 = tpu.memref_squeeze %dma_start3A_549 : memref<1x1x8x128xf32, #tpu.memory_space<vmem>> -> memref<8x128xf32, #tpu.memory_space<vmem>>
      tpu.enqueue_dma source(%dma_start3A_550 : memref<8x128xf32, #tpu.memory_space<vmem>>) target(%dma_start3A_546 : memref<8x128xf32, #tpu.memory_space<hbm>>) target_semaphore(%dma_start3A_542 : memref<!tpu.dma_semaphore, #tpu.memory_space<semaphore_mem>>)
      %dma_start3A_551 = arith.constant 6 : i32
      %dma_start3A_552 = arith.constant 6 : i32
      %dma_start3A_553 = arith.constant 0 : i32
      %dma_start3A_554 = arith.constant 0 : i32
      %dma_start3A_555 = tpu.memref_slice %arg8[%rem3A_413, %dma_start3A_551, %dma_start3A_553, %dma_start3A_554] : memref<2x8x8x128xf32, #tpu.memory_space<vmem>> -> memref<1x1x8x128xf32, #tpu.memory_space<vmem>>
      %dma_start3A_556 = tpu.memref_squeeze %dma_start3A_555 : memref<1x1x8x128xf32, #tpu.memory_space<vmem>> -> memref<8x128xf32, #tpu.memory_space<vmem>>
      %dma_start3A_557 = arith.constant 0 : i32
      %dma_start3A_558 = arith.constant 0 : i32
      %dma_start3A_559 = tpu.memref_slice %arg5[%div3A_407, %dma_start3A_552, %rem3A_409, %dma_start3A_557, %dma_start3A_558] : memref<200x8x32x8x128xf32, #tpu.memory_space<hbm>> -> memref<1x1x1x8x128xf32, #tpu.memory_space<hbm>>
      %dma_start3A_560 = tpu.memref_squeeze %dma_start3A_559 : memref<1x1x1x8x128xf32, #tpu.memory_space<hbm>> -> memref<8x128xf32, #tpu.memory_space<hbm>>
      %dma_start3A_561 = tpu.memref_slice %arg11[%rem3A_413] : memref<2x!tpu.dma_semaphore, #tpu.memory_space<semaphore_mem>> -> memref<1x!tpu.dma_semaphore, #tpu.memory_space<semaphore_mem>>
      %dma_start3A_562 = tpu.memref_squeeze %dma_start3A_561 : memref<1x!tpu.dma_semaphore, #tpu.memory_space<semaphore_mem>> -> memref<!tpu.dma_semaphore, #tpu.memory_space<semaphore_mem>>
      %dma_start3A_563 = arith.constant 0 : i32
      %dma_start3A_564 = arith.constant 0 : i32
      %dma_start3A_565 = tpu.memref_slice %arg5[%div3A_407, %dma_start3A_552, %rem3A_409, %dma_start3A_563, %dma_start3A_564] : memref<200x8x32x8x128xf32, #tpu.memory_space<hbm>> -> memref<1x1x1x8x128xf32, #tpu.memory_space<hbm>>
      %dma_start3A_566 = tpu.memref_squeeze %dma_start3A_565 : memref<1x1x1x8x128xf32, #tpu.memory_space<hbm>> -> memref<8x128xf32, #tpu.memory_space<hbm>>
      %dma_start3A_567 = arith.constant 0 : i32
      %dma_start3A_568 = arith.constant 0 : i32
      %dma_start3A_569 = tpu.memref_slice %arg8[%rem3A_413, %dma_start3A_551, %dma_start3A_567, %dma_start3A_568] : memref<2x8x8x128xf32, #tpu.memory_space<vmem>> -> memref<1x1x8x128xf32, #tpu.memory_space<vmem>>
      %dma_start3A_570 = tpu.memref_squeeze %dma_start3A_569 : memref<1x1x8x128xf32, #tpu.memory_space<vmem>> -> memref<8x128xf32, #tpu.memory_space<vmem>>
      tpu.enqueue_dma source(%dma_start3A_570 : memref<8x128xf32, #tpu.memory_space<vmem>>) target(%dma_start3A_566 : memref<8x128xf32, #tpu.memory_space<hbm>>) target_semaphore(%dma_start3A_562 : memref<!tpu.dma_semaphore, #tpu.memory_space<semaphore_mem>>)
      %dma_start3A_571 = arith.constant 7 : i32
      %dma_start3A_572 = arith.constant 7 : i32
      %dma_start3A_573 = arith.constant 0 : i32
      %dma_start3A_574 = arith.constant 0 : i32
      %dma_start3A_575 = tpu.memref_slice %arg8[%rem3A_413, %dma_start3A_571, %dma_start3A_573, %dma_start3A_574] : memref<2x8x8x128xf32, #tpu.memory_space<vmem>> -> memref<1x1x8x128xf32, #tpu.memory_space<vmem>>
      %dma_start3A_576 = tpu.memref_squeeze %dma_start3A_575 : memref<1x1x8x128xf32, #tpu.memory_space<vmem>> -> memref<8x128xf32, #tpu.memory_space<vmem>>
      %dma_start3A_577 = arith.constant 0 : i32
      %dma_start3A_578 = arith.constant 0 : i32
      %dma_start3A_579 = tpu.memref_slice %arg5[%div3A_407, %dma_start3A_572, %rem3A_409, %dma_start3A_577, %dma_start3A_578] : memref<200x8x32x8x128xf32, #tpu.memory_space<hbm>> -> memref<1x1x1x8x128xf32, #tpu.memory_space<hbm>>
      %dma_start3A_580 = tpu.memref_squeeze %dma_start3A_579 : memref<1x1x1x8x128xf32, #tpu.memory_space<hbm>> -> memref<8x128xf32, #tpu.memory_space<hbm>>
      %dma_start3A_581 = tpu.memref_slice %arg11[%rem3A_413] : memref<2x!tpu.dma_semaphore, #tpu.memory_space<semaphore_mem>> -> memref<1x!tpu.dma_semaphore, #tpu.memory_space<semaphore_mem>>
      %dma_start3A_582 = tpu.memref_squeeze %dma_start3A_581 : memref<1x!tpu.dma_semaphore, #tpu.memory_space<semaphore_mem>> -> memref<!tpu.dma_semaphore, #tpu.memory_space<semaphore_mem>>
      %dma_start3A_583 = arith.constant 0 : i32
      %dma_start3A_584 = arith.constant 0 : i32
      %dma_start3A_585 = tpu.memref_slice %arg5[%div3A_407, %dma_start3A_572, %rem3A_409, %dma_start3A_583, %dma_start3A_584] : memref<200x8x32x8x128xf32, #tpu.memory_space<hbm>> -> memref<1x1x1x8x128xf32, #tpu.memory_space<hbm>>
      %dma_start3A_586 = tpu.memref_squeeze %dma_start3A_585 : memref<1x1x1x8x128xf32, #tpu.memory_space<hbm>> -> memref<8x128xf32, #tpu.memory_space<hbm>>
      %dma_start3A_587 = arith.constant 0 : i32
      %dma_start3A_588 = arith.constant 0 : i32
      %dma_start3A_589 = tpu.memref_slice %arg8[%rem3A_413, %dma_start3A_571, %dma_start3A_587, %dma_start3A_588] : memref<2x8x8x128xf32, #tpu.memory_space<vmem>> -> memref<1x1x8x128xf32, #tpu.memory_space<vmem>>
      %dma_start3A_590 = tpu.memref_squeeze %dma_start3A_589 : memref<1x1x8x128xf32, #tpu.memory_space<vmem>> -> memref<8x128xf32, #tpu.memory_space<vmem>>
      tpu.enqueue_dma source(%dma_start3A_590 : memref<8x128xf32, #tpu.memory_space<vmem>>) target(%dma_start3A_586 : memref<8x128xf32, #tpu.memory_space<hbm>>) target_semaphore(%dma_start3A_582 : memref<!tpu.dma_semaphore, #tpu.memory_space<semaphore_mem>>)
      %add3A_591 = arith.constant 2 : i32
      %add3A_592 = arith.addi %scan3A_404, %add3A_591 : i32
      %lt3A = arith.constant 200 : i32
      %lt3A_593 = arith.cmpi slt, %add3A_592, %lt3A : i32
      %convert_element_type3A_594 = arith.extui %lt3A_593 : i1 to i32
      %cond3A_595 = arith.constant 0 : i32
      %cond3A_596 = arith.cmpi ne, %convert_element_type3A_594, %cond3A_595 : i32
      scf.if %cond3A_596 {
        %add3A_597 = arith.constant 2 : i32
        %add3A_598 = arith.addi %scan3A_404, %add3A_597 : i32
        %add3A_599 = arith.constant 2 : i32
        %add3A_600 = arith.addi %scan3A_404, %add3A_599 : i32
        %rem3A_601 = arith.constant 3 : i32
        %rem3A_602 = arith.remsi %add3A_600, %rem3A_601 : i32
        %dma_start3A_603 = arith.constant 0 : i32
        %dma_start3A_604 = arith.constant 0 : i32
        %dma_start3A_605 = tpu.memref_slice %arg7[%rem3A_602, %dma_start3A_603, %dma_start3A_604] : memref<3x128x64xf32, #tpu.memory_space<vmem>> -> memref<1x128x64xf32, #tpu.memory_space<vmem>>
        %dma_start3A_606 = tpu.memref_squeeze %dma_start3A_605 : memref<1x128x64xf32, #tpu.memory_space<vmem>> -> memref<128x64xf32, #tpu.memory_space<vmem>>
        %dma_start3A_607 = arith.constant 0 : i32
        %dma_start3A_608 = tpu.memref_slice %arg6[%add3A_598, %dma_start3A_607] : memref<200x128xi32, #tpu.memory_space<vmem>> -> memref<1x128xi32, #tpu.memory_space<vmem>>
        %dma_start3A_609 = tpu.memref_squeeze %dma_start3A_608 : memref<1x128xi32, #tpu.memory_space<vmem>> -> memref<128xi32, #tpu.memory_space<vmem>>
        %dma_start3A_610 = arith.constant 0 : i32
        %dma_start3A_611 = arith.constant 0 : i32
        %dma_start3A_612 = tpu.memref_slice %arg3[%dma_start3A_610, %dma_start3A_611] : memref<2000000x64xf32, #tpu.memory_space<hbm>> -> memref<2000000x64xf32, #tpu.memory_space<hbm>>
        %dma_start3A_613 = tpu.memref_slice %arg10[%rem3A_602] : memref<3x!tpu.dma_semaphore, #tpu.memory_space<semaphore_mem>> -> memref<1x!tpu.dma_semaphore, #tpu.memory_space<semaphore_mem>>
        %dma_start3A_614 = tpu.memref_squeeze %dma_start3A_613 : memref<1x!tpu.dma_semaphore, #tpu.memory_space<semaphore_mem>> -> memref<!tpu.dma_semaphore, #tpu.memory_space<semaphore_mem>>
        tpu.enqueue_indirect_dma source(%dma_start3A_612 : memref<2000000x64xf32, #tpu.memory_space<hbm>>) target(%dma_start3A_606 : memref<128x64xf32, #tpu.memory_space<vmem>>) offsets(%dma_start3A_609 : memref<128xi32, #tpu.memory_space<vmem>>) semaphore(%dma_start3A_614 : memref<!tpu.dma_semaphore, #tpu.memory_space<semaphore_mem>>)
      } else {
      }
    }
    %scan3A_42 = arith.constant 200 : i32
    %add3A_43 = arith.constant 198 : i32
    %add3A_44 = arith.addi %mul3A_2, %add3A_43 : i32
    %div3A = arith.constant 32 : i32
    %div3A_45 = arith.divsi %add3A_44, %div3A : i32
    %rem3A = arith.constant 32 : i32
    %rem3A_46 = arith.remsi %add3A_44, %rem3A : i32
    %dma_wait3A = arith.constant 0 : i32
    %dma_wait3A_47 = arith.constant 0 : i32
    %dma_wait3A_48 = arith.constant 0 : i32
    %dma_wait3A_49 = arith.constant 0 : i32
    %dma_wait3A_50 = arith.constant 0 : i32
    %dma_wait3A_51 = arith.constant 0 : i32
    %dma_wait3A_52 = tpu.memref_slice %arg8[%dma_wait3A, %dma_wait3A_47, %dma_wait3A_50, %dma_wait3A_51] : memref<2x8x8x128xf32, #tpu.memory_space<vmem>> -> memref<1x1x8x128xf32, #tpu.memory_space<vmem>>
    %dma_wait3A_53 = tpu.memref_squeeze %dma_wait3A_52 : memref<1x1x8x128xf32, #tpu.memory_space<vmem>> -> memref<8x128xf32, #tpu.memory_space<vmem>>
    %dma_wait3A_54 = arith.constant 0 : i32
    %dma_wait3A_55 = arith.constant 0 : i32
    %dma_wait3A_56 = tpu.memref_slice %arg5[%div3A_45, %dma_wait3A_48, %rem3A_46, %dma_wait3A_54, %dma_wait3A_55] : memref<200x8x32x8x128xf32, #tpu.memory_space<hbm>> -> memref<1x1x1x8x128xf32, #tpu.memory_space<hbm>>
    %dma_wait3A_57 = tpu.memref_squeeze %dma_wait3A_56 : memref<1x1x1x8x128xf32, #tpu.memory_space<hbm>> -> memref<8x128xf32, #tpu.memory_space<hbm>>
    %dma_wait3A_58 = tpu.memref_slice %arg11[%dma_wait3A_49] : memref<2x!tpu.dma_semaphore, #tpu.memory_space<semaphore_mem>> -> memref<1x!tpu.dma_semaphore, #tpu.memory_space<semaphore_mem>>
    %dma_wait3A_59 = tpu.memref_squeeze %dma_wait3A_58 : memref<1x!tpu.dma_semaphore, #tpu.memory_space<semaphore_mem>> -> memref<!tpu.dma_semaphore, #tpu.memory_space<semaphore_mem>>
    %dma_wait3A_60 = arith.constant 0 : i32
    %dma_wait3A_61 = arith.constant 0 : i32
    %dma_wait3A_62 = tpu.memref_slice %arg5[%div3A_45, %dma_wait3A_48, %rem3A_46, %dma_wait3A_60, %dma_wait3A_61] : memref<200x8x32x8x128xf32, #tpu.memory_space<hbm>> -> memref<1x1x1x8x128xf32, #tpu.memory_space<hbm>>
    %dma_wait3A_63 = tpu.memref_squeeze %dma_wait3A_62 : memref<1x1x1x8x128xf32, #tpu.memory_space<hbm>> -> memref<8x128xf32, #tpu.memory_space<hbm>>
    %dma_wait3A_64 = arith.constant 0 : i32
    %dma_wait3A_65 = arith.constant 0 : i32
    %dma_wait3A_66 = tpu.memref_slice %arg8[%dma_wait3A, %dma_wait3A_47, %dma_wait3A_64, %dma_wait3A_65] : memref<2x8x8x128xf32, #tpu.memory_space<vmem>> -> memref<1x1x8x128xf32, #tpu.memory_space<vmem>>
    %dma_wait3A_67 = tpu.memref_squeeze %dma_wait3A_66 : memref<1x1x8x128xf32, #tpu.memory_space<vmem>> -> memref<8x128xf32, #tpu.memory_space<vmem>>
    tpu.wait_dma2 semaphore(%dma_wait3A_59 : memref<!tpu.dma_semaphore, #tpu.memory_space<semaphore_mem>>) src(%dma_wait3A_67 : memref<8x128xf32, #tpu.memory_space<vmem>>) dst(%dma_wait3A_63 : memref<8x128xf32, #tpu.memory_space<hbm>>)
    %dma_wait3A_68 = arith.constant 0 : i32
    %dma_wait3A_69 = arith.constant 1 : i32
    %dma_wait3A_70 = arith.constant 1 : i32
    %dma_wait3A_71 = arith.constant 0 : i32
    %dma_wait3A_72 = arith.constant 0 : i32
    %dma_wait3A_73 = arith.constant 0 : i32
    %dma_wait3A_74 = tpu.memref_slice %arg8[%dma_wait3A_68, %dma_wait3A_69, %dma_wait3A_72, %dma_wait3A_73] : memref<2x8x8x128xf32, #tpu.memory_space<vmem>> -> memref<1x1x8x128xf32, #tpu.memory_space<vmem>>
    %dma_wait3A_75 = tpu.memref_squeeze %dma_wait3A_74 : memref<1x1x8x128xf32, #tpu.memory_space<vmem>> -> memref<8x128xf32, #tpu.memory_space<vmem>>
    %dma_wait3A_76 = arith.constant 0 : i32
    %dma_wait3A_77 = arith.constant 0 : i32
    %dma_wait3A_78 = tpu.memref_slice %arg5[%div3A_45, %dma_wait3A_70, %rem3A_46, %dma_wait3A_76, %dma_wait3A_77] : memref<200x8x32x8x128xf32, #tpu.memory_space<hbm>> -> memref<1x1x1x8x128xf32, #tpu.memory_space<hbm>>
    %dma_wait3A_79 = tpu.memref_squeeze %dma_wait3A_78 : memref<1x1x1x8x128xf32, #tpu.memory_space<hbm>> -> memref<8x128xf32, #tpu.memory_space<hbm>>
    %dma_wait3A_80 = tpu.memref_slice %arg11[%dma_wait3A_71] : memref<2x!tpu.dma_semaphore, #tpu.memory_space<semaphore_mem>> -> memref<1x!tpu.dma_semaphore, #tpu.memory_space<semaphore_mem>>
    %dma_wait3A_81 = tpu.memref_squeeze %dma_wait3A_80 : memref<1x!tpu.dma_semaphore, #tpu.memory_space<semaphore_mem>> -> memref<!tpu.dma_semaphore, #tpu.memory_space<semaphore_mem>>
    %dma_wait3A_82 = arith.constant 0 : i32
    %dma_wait3A_83 = arith.constant 0 : i32
    %dma_wait3A_84 = tpu.memref_slice %arg5[%div3A_45, %dma_wait3A_70, %rem3A_46, %dma_wait3A_82, %dma_wait3A_83] : memref<200x8x32x8x128xf32, #tpu.memory_space<hbm>> -> memref<1x1x1x8x128xf32, #tpu.memory_space<hbm>>
    %dma_wait3A_85 = tpu.memref_squeeze %dma_wait3A_84 : memref<1x1x1x8x128xf32, #tpu.memory_space<hbm>> -> memref<8x128xf32, #tpu.memory_space<hbm>>
    %dma_wait3A_86 = arith.constant 0 : i32
    %dma_wait3A_87 = arith.constant 0 : i32
    %dma_wait3A_88 = tpu.memref_slice %arg8[%dma_wait3A_68, %dma_wait3A_69, %dma_wait3A_86, %dma_wait3A_87] : memref<2x8x8x128xf32, #tpu.memory_space<vmem>> -> memref<1x1x8x128xf32, #tpu.memory_space<vmem>>
    %dma_wait3A_89 = tpu.memref_squeeze %dma_wait3A_88 : memref<1x1x8x128xf32, #tpu.memory_space<vmem>> -> memref<8x128xf32, #tpu.memory_space<vmem>>
    tpu.wait_dma2 semaphore(%dma_wait3A_81 : memref<!tpu.dma_semaphore, #tpu.memory_space<semaphore_mem>>) src(%dma_wait3A_89 : memref<8x128xf32, #tpu.memory_space<vmem>>) dst(%dma_wait3A_85 : memref<8x128xf32, #tpu.memory_space<hbm>>)
    %dma_wait3A_90 = arith.constant 0 : i32
    %dma_wait3A_91 = arith.constant 2 : i32
    %dma_wait3A_92 = arith.constant 2 : i32
    %dma_wait3A_93 = arith.constant 0 : i32
    %dma_wait3A_94 = arith.constant 0 : i32
    %dma_wait3A_95 = arith.constant 0 : i32
    %dma_wait3A_96 = tpu.memref_slice %arg8[%dma_wait3A_90, %dma_wait3A_91, %dma_wait3A_94, %dma_wait3A_95] : memref<2x8x8x128xf32, #tpu.memory_space<vmem>> -> memref<1x1x8x128xf32, #tpu.memory_space<vmem>>
    %dma_wait3A_97 = tpu.memref_squeeze %dma_wait3A_96 : memref<1x1x8x128xf32, #tpu.memory_space<vmem>> -> memref<8x128xf32, #tpu.memory_space<vmem>>
    %dma_wait3A_98 = arith.constant 0 : i32
    %dma_wait3A_99 = arith.constant 0 : i32
    %dma_wait3A_100 = tpu.memref_slice %arg5[%div3A_45, %dma_wait3A_92, %rem3A_46, %dma_wait3A_98, %dma_wait3A_99] : memref<200x8x32x8x128xf32, #tpu.memory_space<hbm>> -> memref<1x1x1x8x128xf32, #tpu.memory_space<hbm>>
    %dma_wait3A_101 = tpu.memref_squeeze %dma_wait3A_100 : memref<1x1x1x8x128xf32, #tpu.memory_space<hbm>> -> memref<8x128xf32, #tpu.memory_space<hbm>>
    %dma_wait3A_102 = tpu.memref_slice %arg11[%dma_wait3A_93] : memref<2x!tpu.dma_semaphore, #tpu.memory_space<semaphore_mem>> -> memref<1x!tpu.dma_semaphore, #tpu.memory_space<semaphore_mem>>
    %dma_wait3A_103 = tpu.memref_squeeze %dma_wait3A_102 : memref<1x!tpu.dma_semaphore, #tpu.memory_space<semaphore_mem>> -> memref<!tpu.dma_semaphore, #tpu.memory_space<semaphore_mem>>
    %dma_wait3A_104 = arith.constant 0 : i32
    %dma_wait3A_105 = arith.constant 0 : i32
    %dma_wait3A_106 = tpu.memref_slice %arg5[%div3A_45, %dma_wait3A_92, %rem3A_46, %dma_wait3A_104, %dma_wait3A_105] : memref<200x8x32x8x128xf32, #tpu.memory_space<hbm>> -> memref<1x1x1x8x128xf32, #tpu.memory_space<hbm>>
    %dma_wait3A_107 = tpu.memref_squeeze %dma_wait3A_106 : memref<1x1x1x8x128xf32, #tpu.memory_space<hbm>> -> memref<8x128xf32, #tpu.memory_space<hbm>>
    %dma_wait3A_108 = arith.constant 0 : i32
    %dma_wait3A_109 = arith.constant 0 : i32
    %dma_wait3A_110 = tpu.memref_slice %arg8[%dma_wait3A_90, %dma_wait3A_91, %dma_wait3A_108, %dma_wait3A_109] : memref<2x8x8x128xf32, #tpu.memory_space<vmem>> -> memref<1x1x8x128xf32, #tpu.memory_space<vmem>>
    %dma_wait3A_111 = tpu.memref_squeeze %dma_wait3A_110 : memref<1x1x8x128xf32, #tpu.memory_space<vmem>> -> memref<8x128xf32, #tpu.memory_space<vmem>>
    tpu.wait_dma2 semaphore(%dma_wait3A_103 : memref<!tpu.dma_semaphore, #tpu.memory_space<semaphore_mem>>) src(%dma_wait3A_111 : memref<8x128xf32, #tpu.memory_space<vmem>>) dst(%dma_wait3A_107 : memref<8x128xf32, #tpu.memory_space<hbm>>)
    %dma_wait3A_112 = arith.constant 0 : i32
    %dma_wait3A_113 = arith.constant 3 : i32
    %dma_wait3A_114 = arith.constant 3 : i32
    %dma_wait3A_115 = arith.constant 0 : i32
    %dma_wait3A_116 = arith.constant 0 : i32
    %dma_wait3A_117 = arith.constant 0 : i32
    %dma_wait3A_118 = tpu.memref_slice %arg8[%dma_wait3A_112, %dma_wait3A_113, %dma_wait3A_116, %dma_wait3A_117] : memref<2x8x8x128xf32, #tpu.memory_space<vmem>> -> memref<1x1x8x128xf32, #tpu.memory_space<vmem>>
    %dma_wait3A_119 = tpu.memref_squeeze %dma_wait3A_118 : memref<1x1x8x128xf32, #tpu.memory_space<vmem>> -> memref<8x128xf32, #tpu.memory_space<vmem>>
    %dma_wait3A_120 = arith.constant 0 : i32
    %dma_wait3A_121 = arith.constant 0 : i32
    %dma_wait3A_122 = tpu.memref_slice %arg5[%div3A_45, %dma_wait3A_114, %rem3A_46, %dma_wait3A_120, %dma_wait3A_121] : memref<200x8x32x8x128xf32, #tpu.memory_space<hbm>> -> memref<1x1x1x8x128xf32, #tpu.memory_space<hbm>>
    %dma_wait3A_123 = tpu.memref_squeeze %dma_wait3A_122 : memref<1x1x1x8x128xf32, #tpu.memory_space<hbm>> -> memref<8x128xf32, #tpu.memory_space<hbm>>
    %dma_wait3A_124 = tpu.memref_slice %arg11[%dma_wait3A_115] : memref<2x!tpu.dma_semaphore, #tpu.memory_space<semaphore_mem>> -> memref<1x!tpu.dma_semaphore, #tpu.memory_space<semaphore_mem>>
    %dma_wait3A_125 = tpu.memref_squeeze %dma_wait3A_124 : memref<1x!tpu.dma_semaphore, #tpu.memory_space<semaphore_mem>> -> memref<!tpu.dma_semaphore, #tpu.memory_space<semaphore_mem>>
    %dma_wait3A_126 = arith.constant 0 : i32
    %dma_wait3A_127 = arith.constant 0 : i32
    %dma_wait3A_128 = tpu.memref_slice %arg5[%div3A_45, %dma_wait3A_114, %rem3A_46, %dma_wait3A_126, %dma_wait3A_127] : memref<200x8x32x8x128xf32, #tpu.memory_space<hbm>> -> memref<1x1x1x8x128xf32, #tpu.memory_space<hbm>>
    %dma_wait3A_129 = tpu.memref_squeeze %dma_wait3A_128 : memref<1x1x1x8x128xf32, #tpu.memory_space<hbm>> -> memref<8x128xf32, #tpu.memory_space<hbm>>
    %dma_wait3A_130 = arith.constant 0 : i32
    %dma_wait3A_131 = arith.constant 0 : i32
    %dma_wait3A_132 = tpu.memref_slice %arg8[%dma_wait3A_112, %dma_wait3A_113, %dma_wait3A_130, %dma_wait3A_131] : memref<2x8x8x128xf32, #tpu.memory_space<vmem>> -> memref<1x1x8x128xf32, #tpu.memory_space<vmem>>
    %dma_wait3A_133 = tpu.memref_squeeze %dma_wait3A_132 : memref<1x1x8x128xf32, #tpu.memory_space<vmem>> -> memref<8x128xf32, #tpu.memory_space<vmem>>
    tpu.wait_dma2 semaphore(%dma_wait3A_125 : memref<!tpu.dma_semaphore, #tpu.memory_space<semaphore_mem>>) src(%dma_wait3A_133 : memref<8x128xf32, #tpu.memory_space<vmem>>) dst(%dma_wait3A_129 : memref<8x128xf32, #tpu.memory_space<hbm>>)
    %dma_wait3A_134 = arith.constant 0 : i32
    %dma_wait3A_135 = arith.constant 4 : i32
    %dma_wait3A_136 = arith.constant 4 : i32
    %dma_wait3A_137 = arith.constant 0 : i32
    %dma_wait3A_138 = arith.constant 0 : i32
    %dma_wait3A_139 = arith.constant 0 : i32
    %dma_wait3A_140 = tpu.memref_slice %arg8[%dma_wait3A_134, %dma_wait3A_135, %dma_wait3A_138, %dma_wait3A_139] : memref<2x8x8x128xf32, #tpu.memory_space<vmem>> -> memref<1x1x8x128xf32, #tpu.memory_space<vmem>>
    %dma_wait3A_141 = tpu.memref_squeeze %dma_wait3A_140 : memref<1x1x8x128xf32, #tpu.memory_space<vmem>> -> memref<8x128xf32, #tpu.memory_space<vmem>>
    %dma_wait3A_142 = arith.constant 0 : i32
    %dma_wait3A_143 = arith.constant 0 : i32
    %dma_wait3A_144 = tpu.memref_slice %arg5[%div3A_45, %dma_wait3A_136, %rem3A_46, %dma_wait3A_142, %dma_wait3A_143] : memref<200x8x32x8x128xf32, #tpu.memory_space<hbm>> -> memref<1x1x1x8x128xf32, #tpu.memory_space<hbm>>
    %dma_wait3A_145 = tpu.memref_squeeze %dma_wait3A_144 : memref<1x1x1x8x128xf32, #tpu.memory_space<hbm>> -> memref<8x128xf32, #tpu.memory_space<hbm>>
    %dma_wait3A_146 = tpu.memref_slice %arg11[%dma_wait3A_137] : memref<2x!tpu.dma_semaphore, #tpu.memory_space<semaphore_mem>> -> memref<1x!tpu.dma_semaphore, #tpu.memory_space<semaphore_mem>>
    %dma_wait3A_147 = tpu.memref_squeeze %dma_wait3A_146 : memref<1x!tpu.dma_semaphore, #tpu.memory_space<semaphore_mem>> -> memref<!tpu.dma_semaphore, #tpu.memory_space<semaphore_mem>>
    %dma_wait3A_148 = arith.constant 0 : i32
    %dma_wait3A_149 = arith.constant 0 : i32
    %dma_wait3A_150 = tpu.memref_slice %arg5[%div3A_45, %dma_wait3A_136, %rem3A_46, %dma_wait3A_148, %dma_wait3A_149] : memref<200x8x32x8x128xf32, #tpu.memory_space<hbm>> -> memref<1x1x1x8x128xf32, #tpu.memory_space<hbm>>
    %dma_wait3A_151 = tpu.memref_squeeze %dma_wait3A_150 : memref<1x1x1x8x128xf32, #tpu.memory_space<hbm>> -> memref<8x128xf32, #tpu.memory_space<hbm>>
    %dma_wait3A_152 = arith.constant 0 : i32
    %dma_wait3A_153 = arith.constant 0 : i32
    %dma_wait3A_154 = tpu.memref_slice %arg8[%dma_wait3A_134, %dma_wait3A_135, %dma_wait3A_152, %dma_wait3A_153] : memref<2x8x8x128xf32, #tpu.memory_space<vmem>> -> memref<1x1x8x128xf32, #tpu.memory_space<vmem>>
    %dma_wait3A_155 = tpu.memref_squeeze %dma_wait3A_154 : memref<1x1x8x128xf32, #tpu.memory_space<vmem>> -> memref<8x128xf32, #tpu.memory_space<vmem>>
    tpu.wait_dma2 semaphore(%dma_wait3A_147 : memref<!tpu.dma_semaphore, #tpu.memory_space<semaphore_mem>>) src(%dma_wait3A_155 : memref<8x128xf32, #tpu.memory_space<vmem>>) dst(%dma_wait3A_151 : memref<8x128xf32, #tpu.memory_space<hbm>>)
    %dma_wait3A_156 = arith.constant 0 : i32
    %dma_wait3A_157 = arith.constant 5 : i32
    %dma_wait3A_158 = arith.constant 5 : i32
    %dma_wait3A_159 = arith.constant 0 : i32
    %dma_wait3A_160 = arith.constant 0 : i32
    %dma_wait3A_161 = arith.constant 0 : i32
    %dma_wait3A_162 = tpu.memref_slice %arg8[%dma_wait3A_156, %dma_wait3A_157, %dma_wait3A_160, %dma_wait3A_161] : memref<2x8x8x128xf32, #tpu.memory_space<vmem>> -> memref<1x1x8x128xf32, #tpu.memory_space<vmem>>
    %dma_wait3A_163 = tpu.memref_squeeze %dma_wait3A_162 : memref<1x1x8x128xf32, #tpu.memory_space<vmem>> -> memref<8x128xf32, #tpu.memory_space<vmem>>
    %dma_wait3A_164 = arith.constant 0 : i32
    %dma_wait3A_165 = arith.constant 0 : i32
    %dma_wait3A_166 = tpu.memref_slice %arg5[%div3A_45, %dma_wait3A_158, %rem3A_46, %dma_wait3A_164, %dma_wait3A_165] : memref<200x8x32x8x128xf32, #tpu.memory_space<hbm>> -> memref<1x1x1x8x128xf32, #tpu.memory_space<hbm>>
    %dma_wait3A_167 = tpu.memref_squeeze %dma_wait3A_166 : memref<1x1x1x8x128xf32, #tpu.memory_space<hbm>> -> memref<8x128xf32, #tpu.memory_space<hbm>>
    %dma_wait3A_168 = tpu.memref_slice %arg11[%dma_wait3A_159] : memref<2x!tpu.dma_semaphore, #tpu.memory_space<semaphore_mem>> -> memref<1x!tpu.dma_semaphore, #tpu.memory_space<semaphore_mem>>
    %dma_wait3A_169 = tpu.memref_squeeze %dma_wait3A_168 : memref<1x!tpu.dma_semaphore, #tpu.memory_space<semaphore_mem>> -> memref<!tpu.dma_semaphore, #tpu.memory_space<semaphore_mem>>
    %dma_wait3A_170 = arith.constant 0 : i32
    %dma_wait3A_171 = arith.constant 0 : i32
    %dma_wait3A_172 = tpu.memref_slice %arg5[%div3A_45, %dma_wait3A_158, %rem3A_46, %dma_wait3A_170, %dma_wait3A_171] : memref<200x8x32x8x128xf32, #tpu.memory_space<hbm>> -> memref<1x1x1x8x128xf32, #tpu.memory_space<hbm>>
    %dma_wait3A_173 = tpu.memref_squeeze %dma_wait3A_172 : memref<1x1x1x8x128xf32, #tpu.memory_space<hbm>> -> memref<8x128xf32, #tpu.memory_space<hbm>>
    %dma_wait3A_174 = arith.constant 0 : i32
    %dma_wait3A_175 = arith.constant 0 : i32
    %dma_wait3A_176 = tpu.memref_slice %arg8[%dma_wait3A_156, %dma_wait3A_157, %dma_wait3A_174, %dma_wait3A_175] : memref<2x8x8x128xf32, #tpu.memory_space<vmem>> -> memref<1x1x8x128xf32, #tpu.memory_space<vmem>>
    %dma_wait3A_177 = tpu.memref_squeeze %dma_wait3A_176 : memref<1x1x8x128xf32, #tpu.memory_space<vmem>> -> memref<8x128xf32, #tpu.memory_space<vmem>>
    tpu.wait_dma2 semaphore(%dma_wait3A_169 : memref<!tpu.dma_semaphore, #tpu.memory_space<semaphore_mem>>) src(%dma_wait3A_177 : memref<8x128xf32, #tpu.memory_space<vmem>>) dst(%dma_wait3A_173 : memref<8x128xf32, #tpu.memory_space<hbm>>)
    %dma_wait3A_178 = arith.constant 0 : i32
    %dma_wait3A_179 = arith.constant 6 : i32
    %dma_wait3A_180 = arith.constant 6 : i32
    %dma_wait3A_181 = arith.constant 0 : i32
    %dma_wait3A_182 = arith.constant 0 : i32
    %dma_wait3A_183 = arith.constant 0 : i32
    %dma_wait3A_184 = tpu.memref_slice %arg8[%dma_wait3A_178, %dma_wait3A_179, %dma_wait3A_182, %dma_wait3A_183] : memref<2x8x8x128xf32, #tpu.memory_space<vmem>> -> memref<1x1x8x128xf32, #tpu.memory_space<vmem>>
    %dma_wait3A_185 = tpu.memref_squeeze %dma_wait3A_184 : memref<1x1x8x128xf32, #tpu.memory_space<vmem>> -> memref<8x128xf32, #tpu.memory_space<vmem>>
    %dma_wait3A_186 = arith.constant 0 : i32
    %dma_wait3A_187 = arith.constant 0 : i32
    %dma_wait3A_188 = tpu.memref_slice %arg5[%div3A_45, %dma_wait3A_180, %rem3A_46, %dma_wait3A_186, %dma_wait3A_187] : memref<200x8x32x8x128xf32, #tpu.memory_space<hbm>> -> memref<1x1x1x8x128xf32, #tpu.memory_space<hbm>>
    %dma_wait3A_189 = tpu.memref_squeeze %dma_wait3A_188 : memref<1x1x1x8x128xf32, #tpu.memory_space<hbm>> -> memref<8x128xf32, #tpu.memory_space<hbm>>
    %dma_wait3A_190 = tpu.memref_slice %arg11[%dma_wait3A_181] : memref<2x!tpu.dma_semaphore, #tpu.memory_space<semaphore_mem>> -> memref<1x!tpu.dma_semaphore, #tpu.memory_space<semaphore_mem>>
    %dma_wait3A_191 = tpu.memref_squeeze %dma_wait3A_190 : memref<1x!tpu.dma_semaphore, #tpu.memory_space<semaphore_mem>> -> memref<!tpu.dma_semaphore, #tpu.memory_space<semaphore_mem>>
    %dma_wait3A_192 = arith.constant 0 : i32
    %dma_wait3A_193 = arith.constant 0 : i32
    %dma_wait3A_194 = tpu.memref_slice %arg5[%div3A_45, %dma_wait3A_180, %rem3A_46, %dma_wait3A_192, %dma_wait3A_193] : memref<200x8x32x8x128xf32, #tpu.memory_space<hbm>> -> memref<1x1x1x8x128xf32, #tpu.memory_space<hbm>>
    %dma_wait3A_195 = tpu.memref_squeeze %dma_wait3A_194 : memref<1x1x1x8x128xf32, #tpu.memory_space<hbm>> -> memref<8x128xf32, #tpu.memory_space<hbm>>
    %dma_wait3A_196 = arith.constant 0 : i32
    %dma_wait3A_197 = arith.constant 0 : i32
    %dma_wait3A_198 = tpu.memref_slice %arg8[%dma_wait3A_178, %dma_wait3A_179, %dma_wait3A_196, %dma_wait3A_197] : memref<2x8x8x128xf32, #tpu.memory_space<vmem>> -> memref<1x1x8x128xf32, #tpu.memory_space<vmem>>
    %dma_wait3A_199 = tpu.memref_squeeze %dma_wait3A_198 : memref<1x1x8x128xf32, #tpu.memory_space<vmem>> -> memref<8x128xf32, #tpu.memory_space<vmem>>
    tpu.wait_dma2 semaphore(%dma_wait3A_191 : memref<!tpu.dma_semaphore, #tpu.memory_space<semaphore_mem>>) src(%dma_wait3A_199 : memref<8x128xf32, #tpu.memory_space<vmem>>) dst(%dma_wait3A_195 : memref<8x128xf32, #tpu.memory_space<hbm>>)
    %dma_wait3A_200 = arith.constant 0 : i32
    %dma_wait3A_201 = arith.constant 7 : i32
    %dma_wait3A_202 = arith.constant 7 : i32
    %dma_wait3A_203 = arith.constant 0 : i32
    %dma_wait3A_204 = arith.constant 0 : i32
    %dma_wait3A_205 = arith.constant 0 : i32
    %dma_wait3A_206 = tpu.memref_slice %arg8[%dma_wait3A_200, %dma_wait3A_201, %dma_wait3A_204, %dma_wait3A_205] : memref<2x8x8x128xf32, #tpu.memory_space<vmem>> -> memref<1x1x8x128xf32, #tpu.memory_space<vmem>>
    %dma_wait3A_207 = tpu.memref_squeeze %dma_wait3A_206 : memref<1x1x8x128xf32, #tpu.memory_space<vmem>> -> memref<8x128xf32, #tpu.memory_space<vmem>>
    %dma_wait3A_208 = arith.constant 0 : i32
    %dma_wait3A_209 = arith.constant 0 : i32
    %dma_wait3A_210 = tpu.memref_slice %arg5[%div3A_45, %dma_wait3A_202, %rem3A_46, %dma_wait3A_208, %dma_wait3A_209] : memref<200x8x32x8x128xf32, #tpu.memory_space<hbm>> -> memref<1x1x1x8x128xf32, #tpu.memory_space<hbm>>
    %dma_wait3A_211 = tpu.memref_squeeze %dma_wait3A_210 : memref<1x1x1x8x128xf32, #tpu.memory_space<hbm>> -> memref<8x128xf32, #tpu.memory_space<hbm>>
    %dma_wait3A_212 = tpu.memref_slice %arg11[%dma_wait3A_203] : memref<2x!tpu.dma_semaphore, #tpu.memory_space<semaphore_mem>> -> memref<1x!tpu.dma_semaphore, #tpu.memory_space<semaphore_mem>>
    %dma_wait3A_213 = tpu.memref_squeeze %dma_wait3A_212 : memref<1x!tpu.dma_semaphore, #tpu.memory_space<semaphore_mem>> -> memref<!tpu.dma_semaphore, #tpu.memory_space<semaphore_mem>>
    %dma_wait3A_214 = arith.constant 0 : i32
    %dma_wait3A_215 = arith.constant 0 : i32
    %dma_wait3A_216 = tpu.memref_slice %arg5[%div3A_45, %dma_wait3A_202, %rem3A_46, %dma_wait3A_214, %dma_wait3A_215] : memref<200x8x32x8x128xf32, #tpu.memory_space<hbm>> -> memref<1x1x1x8x128xf32, #tpu.memory_space<hbm>>
    %dma_wait3A_217 = tpu.memref_squeeze %dma_wait3A_216 : memref<1x1x1x8x128xf32, #tpu.memory_space<hbm>> -> memref<8x128xf32, #tpu.memory_space<hbm>>
    %dma_wait3A_218 = arith.constant 0 : i32
    %dma_wait3A_219 = arith.constant 0 : i32
    %dma_wait3A_220 = tpu.memref_slice %arg8[%dma_wait3A_200, %dma_wait3A_201, %dma_wait3A_218, %dma_wait3A_219] : memref<2x8x8x128xf32, #tpu.memory_space<vmem>> -> memref<1x1x8x128xf32, #tpu.memory_space<vmem>>
    %dma_wait3A_221 = tpu.memref_squeeze %dma_wait3A_220 : memref<1x1x8x128xf32, #tpu.memory_space<vmem>> -> memref<8x128xf32, #tpu.memory_space<vmem>>
    tpu.wait_dma2 semaphore(%dma_wait3A_213 : memref<!tpu.dma_semaphore, #tpu.memory_space<semaphore_mem>>) src(%dma_wait3A_221 : memref<8x128xf32, #tpu.memory_space<vmem>>) dst(%dma_wait3A_217 : memref<8x128xf32, #tpu.memory_space<hbm>>)
    %add3A_222 = arith.constant 199 : i32
    %add3A_223 = arith.addi %mul3A_2, %add3A_222 : i32
    %div3A_224 = arith.constant 32 : i32
    %div3A_225 = arith.divsi %add3A_223, %div3A_224 : i32
    %rem3A_226 = arith.constant 32 : i32
    %rem3A_227 = arith.remsi %add3A_223, %rem3A_226 : i32
    %dma_wait3A_228 = arith.constant 1 : i32
    %dma_wait3A_229 = arith.constant 0 : i32
    %dma_wait3A_230 = arith.constant 0 : i32
    %dma_wait3A_231 = arith.constant 1 : i32
    %dma_wait3A_232 = arith.constant 0 : i32
    %dma_wait3A_233 = arith.constant 0 : i32
    %dma_wait3A_234 = tpu.memref_slice %arg8[%dma_wait3A_228, %dma_wait3A_229, %dma_wait3A_232, %dma_wait3A_233] : memref<2x8x8x128xf32, #tpu.memory_space<vmem>> -> memref<1x1x8x128xf32, #tpu.memory_space<vmem>>
    %dma_wait3A_235 = tpu.memref_squeeze %dma_wait3A_234 : memref<1x1x8x128xf32, #tpu.memory_space<vmem>> -> memref<8x128xf32, #tpu.memory_space<vmem>>
    %dma_wait3A_236 = arith.constant 0 : i32
    %dma_wait3A_237 = arith.constant 0 : i32
    %dma_wait3A_238 = tpu.memref_slice %arg5[%div3A_225, %dma_wait3A_230, %rem3A_227, %dma_wait3A_236, %dma_wait3A_237] : memref<200x8x32x8x128xf32, #tpu.memory_space<hbm>> -> memref<1x1x1x8x128xf32, #tpu.memory_space<hbm>>
    %dma_wait3A_239 = tpu.memref_squeeze %dma_wait3A_238 : memref<1x1x1x8x128xf32, #tpu.memory_space<hbm>> -> memref<8x128xf32, #tpu.memory_space<hbm>>
    %dma_wait3A_240 = tpu.memref_slice %arg11[%dma_wait3A_231] : memref<2x!tpu.dma_semaphore, #tpu.memory_space<semaphore_mem>> -> memref<1x!tpu.dma_semaphore, #tpu.memory_space<semaphore_mem>>
    %dma_wait3A_241 = tpu.memref_squeeze %dma_wait3A_240 : memref<1x!tpu.dma_semaphore, #tpu.memory_space<semaphore_mem>> -> memref<!tpu.dma_semaphore, #tpu.memory_space<semaphore_mem>>
    %dma_wait3A_242 = arith.constant 0 : i32
    %dma_wait3A_243 = arith.constant 0 : i32
    %dma_wait3A_244 = tpu.memref_slice %arg5[%div3A_225, %dma_wait3A_230, %rem3A_227, %dma_wait3A_242, %dma_wait3A_243] : memref<200x8x32x8x128xf32, #tpu.memory_space<hbm>> -> memref<1x1x1x8x128xf32, #tpu.memory_space<hbm>>
    %dma_wait3A_245 = tpu.memref_squeeze %dma_wait3A_244 : memref<1x1x1x8x128xf32, #tpu.memory_space<hbm>> -> memref<8x128xf32, #tpu.memory_space<hbm>>
    %dma_wait3A_246 = arith.constant 0 : i32
    %dma_wait3A_247 = arith.constant 0 : i32
    %dma_wait3A_248 = tpu.memref_slice %arg8[%dma_wait3A_228, %dma_wait3A_229, %dma_wait3A_246, %dma_wait3A_247] : memref<2x8x8x128xf32, #tpu.memory_space<vmem>> -> memref<1x1x8x128xf32, #tpu.memory_space<vmem>>
    %dma_wait3A_249 = tpu.memref_squeeze %dma_wait3A_248 : memref<1x1x8x128xf32, #tpu.memory_space<vmem>> -> memref<8x128xf32, #tpu.memory_space<vmem>>
    tpu.wait_dma2 semaphore(%dma_wait3A_241 : memref<!tpu.dma_semaphore, #tpu.memory_space<semaphore_mem>>) src(%dma_wait3A_249 : memref<8x128xf32, #tpu.memory_space<vmem>>) dst(%dma_wait3A_245 : memref<8x128xf32, #tpu.memory_space<hbm>>)
    %dma_wait3A_250 = arith.constant 1 : i32
    %dma_wait3A_251 = arith.constant 1 : i32
    %dma_wait3A_252 = arith.constant 1 : i32
    %dma_wait3A_253 = arith.constant 1 : i32
    %dma_wait3A_254 = arith.constant 0 : i32
    %dma_wait3A_255 = arith.constant 0 : i32
    %dma_wait3A_256 = tpu.memref_slice %arg8[%dma_wait3A_250, %dma_wait3A_251, %dma_wait3A_254, %dma_wait3A_255] : memref<2x8x8x128xf32, #tpu.memory_space<vmem>> -> memref<1x1x8x128xf32, #tpu.memory_space<vmem>>
    %dma_wait3A_257 = tpu.memref_squeeze %dma_wait3A_256 : memref<1x1x8x128xf32, #tpu.memory_space<vmem>> -> memref<8x128xf32, #tpu.memory_space<vmem>>
    %dma_wait3A_258 = arith.constant 0 : i32
    %dma_wait3A_259 = arith.constant 0 : i32
    %dma_wait3A_260 = tpu.memref_slice %arg5[%div3A_225, %dma_wait3A_252, %rem3A_227, %dma_wait3A_258, %dma_wait3A_259] : memref<200x8x32x8x128xf32, #tpu.memory_space<hbm>> -> memref<1x1x1x8x128xf32, #tpu.memory_space<hbm>>
    %dma_wait3A_261 = tpu.memref_squeeze %dma_wait3A_260 : memref<1x1x1x8x128xf32, #tpu.memory_space<hbm>> -> memref<8x128xf32, #tpu.memory_space<hbm>>
    %dma_wait3A_262 = tpu.memref_slice %arg11[%dma_wait3A_253] : memref<2x!tpu.dma_semaphore, #tpu.memory_space<semaphore_mem>> -> memref<1x!tpu.dma_semaphore, #tpu.memory_space<semaphore_mem>>
    %dma_wait3A_263 = tpu.memref_squeeze %dma_wait3A_262 : memref<1x!tpu.dma_semaphore, #tpu.memory_space<semaphore_mem>> -> memref<!tpu.dma_semaphore, #tpu.memory_space<semaphore_mem>>
    %dma_wait3A_264 = arith.constant 0 : i32
    %dma_wait3A_265 = arith.constant 0 : i32
    %dma_wait3A_266 = tpu.memref_slice %arg5[%div3A_225, %dma_wait3A_252, %rem3A_227, %dma_wait3A_264, %dma_wait3A_265] : memref<200x8x32x8x128xf32, #tpu.memory_space<hbm>> -> memref<1x1x1x8x128xf32, #tpu.memory_space<hbm>>
    %dma_wait3A_267 = tpu.memref_squeeze %dma_wait3A_266 : memref<1x1x1x8x128xf32, #tpu.memory_space<hbm>> -> memref<8x128xf32, #tpu.memory_space<hbm>>
    %dma_wait3A_268 = arith.constant 0 : i32
    %dma_wait3A_269 = arith.constant 0 : i32
    %dma_wait3A_270 = tpu.memref_slice %arg8[%dma_wait3A_250, %dma_wait3A_251, %dma_wait3A_268, %dma_wait3A_269] : memref<2x8x8x128xf32, #tpu.memory_space<vmem>> -> memref<1x1x8x128xf32, #tpu.memory_space<vmem>>
    %dma_wait3A_271 = tpu.memref_squeeze %dma_wait3A_270 : memref<1x1x8x128xf32, #tpu.memory_space<vmem>> -> memref<8x128xf32, #tpu.memory_space<vmem>>
    tpu.wait_dma2 semaphore(%dma_wait3A_263 : memref<!tpu.dma_semaphore, #tpu.memory_space<semaphore_mem>>) src(%dma_wait3A_271 : memref<8x128xf32, #tpu.memory_space<vmem>>) dst(%dma_wait3A_267 : memref<8x128xf32, #tpu.memory_space<hbm>>)
    %dma_wait3A_272 = arith.constant 1 : i32
    %dma_wait3A_273 = arith.constant 2 : i32
    %dma_wait3A_274 = arith.constant 2 : i32
    %dma_wait3A_275 = arith.constant 1 : i32
    %dma_wait3A_276 = arith.constant 0 : i32
    %dma_wait3A_277 = arith.constant 0 : i32
    %dma_wait3A_278 = tpu.memref_slice %arg8[%dma_wait3A_272, %dma_wait3A_273, %dma_wait3A_276, %dma_wait3A_277] : memref<2x8x8x128xf32, #tpu.memory_space<vmem>> -> memref<1x1x8x128xf32, #tpu.memory_space<vmem>>
    %dma_wait3A_279 = tpu.memref_squeeze %dma_wait3A_278 : memref<1x1x8x128xf32, #tpu.memory_space<vmem>> -> memref<8x128xf32, #tpu.memory_space<vmem>>
    %dma_wait3A_280 = arith.constant 0 : i32
    %dma_wait3A_281 = arith.constant 0 : i32
    %dma_wait3A_282 = tpu.memref_slice %arg5[%div3A_225, %dma_wait3A_274, %rem3A_227, %dma_wait3A_280, %dma_wait3A_281] : memref<200x8x32x8x128xf32, #tpu.memory_space<hbm>> -> memref<1x1x1x8x128xf32, #tpu.memory_space<hbm>>
    %dma_wait3A_283 = tpu.memref_squeeze %dma_wait3A_282 : memref<1x1x1x8x128xf32, #tpu.memory_space<hbm>> -> memref<8x128xf32, #tpu.memory_space<hbm>>
    %dma_wait3A_284 = tpu.memref_slice %arg11[%dma_wait3A_275] : memref<2x!tpu.dma_semaphore, #tpu.memory_space<semaphore_mem>> -> memref<1x!tpu.dma_semaphore, #tpu.memory_space<semaphore_mem>>
    %dma_wait3A_285 = tpu.memref_squeeze %dma_wait3A_284 : memref<1x!tpu.dma_semaphore, #tpu.memory_space<semaphore_mem>> -> memref<!tpu.dma_semaphore, #tpu.memory_space<semaphore_mem>>
    %dma_wait3A_286 = arith.constant 0 : i32
    %dma_wait3A_287 = arith.constant 0 : i32
    %dma_wait3A_288 = tpu.memref_slice %arg5[%div3A_225, %dma_wait3A_274, %rem3A_227, %dma_wait3A_286, %dma_wait3A_287] : memref<200x8x32x8x128xf32, #tpu.memory_space<hbm>> -> memref<1x1x1x8x128xf32, #tpu.memory_space<hbm>>
    %dma_wait3A_289 = tpu.memref_squeeze %dma_wait3A_288 : memref<1x1x1x8x128xf32, #tpu.memory_space<hbm>> -> memref<8x128xf32, #tpu.memory_space<hbm>>
    %dma_wait3A_290 = arith.constant 0 : i32
    %dma_wait3A_291 = arith.constant 0 : i32
    %dma_wait3A_292 = tpu.memref_slice %arg8[%dma_wait3A_272, %dma_wait3A_273, %dma_wait3A_290, %dma_wait3A_291] : memref<2x8x8x128xf32, #tpu.memory_space<vmem>> -> memref<1x1x8x128xf32, #tpu.memory_space<vmem>>
    %dma_wait3A_293 = tpu.memref_squeeze %dma_wait3A_292 : memref<1x1x8x128xf32, #tpu.memory_space<vmem>> -> memref<8x128xf32, #tpu.memory_space<vmem>>
    tpu.wait_dma2 semaphore(%dma_wait3A_285 : memref<!tpu.dma_semaphore, #tpu.memory_space<semaphore_mem>>) src(%dma_wait3A_293 : memref<8x128xf32, #tpu.memory_space<vmem>>) dst(%dma_wait3A_289 : memref<8x128xf32, #tpu.memory_space<hbm>>)
    %dma_wait3A_294 = arith.constant 1 : i32
    %dma_wait3A_295 = arith.constant 3 : i32
    %dma_wait3A_296 = arith.constant 3 : i32
    %dma_wait3A_297 = arith.constant 1 : i32
    %dma_wait3A_298 = arith.constant 0 : i32
    %dma_wait3A_299 = arith.constant 0 : i32
    %dma_wait3A_300 = tpu.memref_slice %arg8[%dma_wait3A_294, %dma_wait3A_295, %dma_wait3A_298, %dma_wait3A_299] : memref<2x8x8x128xf32, #tpu.memory_space<vmem>> -> memref<1x1x8x128xf32, #tpu.memory_space<vmem>>
    %dma_wait3A_301 = tpu.memref_squeeze %dma_wait3A_300 : memref<1x1x8x128xf32, #tpu.memory_space<vmem>> -> memref<8x128xf32, #tpu.memory_space<vmem>>
    %dma_wait3A_302 = arith.constant 0 : i32
    %dma_wait3A_303 = arith.constant 0 : i32
    %dma_wait3A_304 = tpu.memref_slice %arg5[%div3A_225, %dma_wait3A_296, %rem3A_227, %dma_wait3A_302, %dma_wait3A_303] : memref<200x8x32x8x128xf32, #tpu.memory_space<hbm>> -> memref<1x1x1x8x128xf32, #tpu.memory_space<hbm>>
    %dma_wait3A_305 = tpu.memref_squeeze %dma_wait3A_304 : memref<1x1x1x8x128xf32, #tpu.memory_space<hbm>> -> memref<8x128xf32, #tpu.memory_space<hbm>>
    %dma_wait3A_306 = tpu.memref_slice %arg11[%dma_wait3A_297] : memref<2x!tpu.dma_semaphore, #tpu.memory_space<semaphore_mem>> -> memref<1x!tpu.dma_semaphore, #tpu.memory_space<semaphore_mem>>
    %dma_wait3A_307 = tpu.memref_squeeze %dma_wait3A_306 : memref<1x!tpu.dma_semaphore, #tpu.memory_space<semaphore_mem>> -> memref<!tpu.dma_semaphore, #tpu.memory_space<semaphore_mem>>
    %dma_wait3A_308 = arith.constant 0 : i32
    %dma_wait3A_309 = arith.constant 0 : i32
    %dma_wait3A_310 = tpu.memref_slice %arg5[%div3A_225, %dma_wait3A_296, %rem3A_227, %dma_wait3A_308, %dma_wait3A_309] : memref<200x8x32x8x128xf32, #tpu.memory_space<hbm>> -> memref<1x1x1x8x128xf32, #tpu.memory_space<hbm>>
    %dma_wait3A_311 = tpu.memref_squeeze %dma_wait3A_310 : memref<1x1x1x8x128xf32, #tpu.memory_space<hbm>> -> memref<8x128xf32, #tpu.memory_space<hbm>>
    %dma_wait3A_312 = arith.constant 0 : i32
    %dma_wait3A_313 = arith.constant 0 : i32
    %dma_wait3A_314 = tpu.memref_slice %arg8[%dma_wait3A_294, %dma_wait3A_295, %dma_wait3A_312, %dma_wait3A_313] : memref<2x8x8x128xf32, #tpu.memory_space<vmem>> -> memref<1x1x8x128xf32, #tpu.memory_space<vmem>>
    %dma_wait3A_315 = tpu.memref_squeeze %dma_wait3A_314 : memref<1x1x8x128xf32, #tpu.memory_space<vmem>> -> memref<8x128xf32, #tpu.memory_space<vmem>>
    tpu.wait_dma2 semaphore(%dma_wait3A_307 : memref<!tpu.dma_semaphore, #tpu.memory_space<semaphore_mem>>) src(%dma_wait3A_315 : memref<8x128xf32, #tpu.memory_space<vmem>>) dst(%dma_wait3A_311 : memref<8x128xf32, #tpu.memory_space<hbm>>)
    %dma_wait3A_316 = arith.constant 1 : i32
    %dma_wait3A_317 = arith.constant 4 : i32
    %dma_wait3A_318 = arith.constant 4 : i32
    %dma_wait3A_319 = arith.constant 1 : i32
    %dma_wait3A_320 = arith.constant 0 : i32
    %dma_wait3A_321 = arith.constant 0 : i32
    %dma_wait3A_322 = tpu.memref_slice %arg8[%dma_wait3A_316, %dma_wait3A_317, %dma_wait3A_320, %dma_wait3A_321] : memref<2x8x8x128xf32, #tpu.memory_space<vmem>> -> memref<1x1x8x128xf32, #tpu.memory_space<vmem>>
    %dma_wait3A_323 = tpu.memref_squeeze %dma_wait3A_322 : memref<1x1x8x128xf32, #tpu.memory_space<vmem>> -> memref<8x128xf32, #tpu.memory_space<vmem>>
    %dma_wait3A_324 = arith.constant 0 : i32
    %dma_wait3A_325 = arith.constant 0 : i32
    %dma_wait3A_326 = tpu.memref_slice %arg5[%div3A_225, %dma_wait3A_318, %rem3A_227, %dma_wait3A_324, %dma_wait3A_325] : memref<200x8x32x8x128xf32, #tpu.memory_space<hbm>> -> memref<1x1x1x8x128xf32, #tpu.memory_space<hbm>>
    %dma_wait3A_327 = tpu.memref_squeeze %dma_wait3A_326 : memref<1x1x1x8x128xf32, #tpu.memory_space<hbm>> -> memref<8x128xf32, #tpu.memory_space<hbm>>
    %dma_wait3A_328 = tpu.memref_slice %arg11[%dma_wait3A_319] : memref<2x!tpu.dma_semaphore, #tpu.memory_space<semaphore_mem>> -> memref<1x!tpu.dma_semaphore, #tpu.memory_space<semaphore_mem>>
    %dma_wait3A_329 = tpu.memref_squeeze %dma_wait3A_328 : memref<1x!tpu.dma_semaphore, #tpu.memory_space<semaphore_mem>> -> memref<!tpu.dma_semaphore, #tpu.memory_space<semaphore_mem>>
    %dma_wait3A_330 = arith.constant 0 : i32
    %dma_wait3A_331 = arith.constant 0 : i32
    %dma_wait3A_332 = tpu.memref_slice %arg5[%div3A_225, %dma_wait3A_318, %rem3A_227, %dma_wait3A_330, %dma_wait3A_331] : memref<200x8x32x8x128xf32, #tpu.memory_space<hbm>> -> memref<1x1x1x8x128xf32, #tpu.memory_space<hbm>>
    %dma_wait3A_333 = tpu.memref_squeeze %dma_wait3A_332 : memref<1x1x1x8x128xf32, #tpu.memory_space<hbm>> -> memref<8x128xf32, #tpu.memory_space<hbm>>
    %dma_wait3A_334 = arith.constant 0 : i32
    %dma_wait3A_335 = arith.constant 0 : i32
    %dma_wait3A_336 = tpu.memref_slice %arg8[%dma_wait3A_316, %dma_wait3A_317, %dma_wait3A_334, %dma_wait3A_335] : memref<2x8x8x128xf32, #tpu.memory_space<vmem>> -> memref<1x1x8x128xf32, #tpu.memory_space<vmem>>
    %dma_wait3A_337 = tpu.memref_squeeze %dma_wait3A_336 : memref<1x1x8x128xf32, #tpu.memory_space<vmem>> -> memref<8x128xf32, #tpu.memory_space<vmem>>
    tpu.wait_dma2 semaphore(%dma_wait3A_329 : memref<!tpu.dma_semaphore, #tpu.memory_space<semaphore_mem>>) src(%dma_wait3A_337 : memref<8x128xf32, #tpu.memory_space<vmem>>) dst(%dma_wait3A_333 : memref<8x128xf32, #tpu.memory_space<hbm>>)
    %dma_wait3A_338 = arith.constant 1 : i32
    %dma_wait3A_339 = arith.constant 5 : i32
    %dma_wait3A_340 = arith.constant 5 : i32
    %dma_wait3A_341 = arith.constant 1 : i32
    %dma_wait3A_342 = arith.constant 0 : i32
    %dma_wait3A_343 = arith.constant 0 : i32
    %dma_wait3A_344 = tpu.memref_slice %arg8[%dma_wait3A_338, %dma_wait3A_339, %dma_wait3A_342, %dma_wait3A_343] : memref<2x8x8x128xf32, #tpu.memory_space<vmem>> -> memref<1x1x8x128xf32, #tpu.memory_space<vmem>>
    %dma_wait3A_345 = tpu.memref_squeeze %dma_wait3A_344 : memref<1x1x8x128xf32, #tpu.memory_space<vmem>> -> memref<8x128xf32, #tpu.memory_space<vmem>>
    %dma_wait3A_346 = arith.constant 0 : i32
    %dma_wait3A_347 = arith.constant 0 : i32
    %dma_wait3A_348 = tpu.memref_slice %arg5[%div3A_225, %dma_wait3A_340, %rem3A_227, %dma_wait3A_346, %dma_wait3A_347] : memref<200x8x32x8x128xf32, #tpu.memory_space<hbm>> -> memref<1x1x1x8x128xf32, #tpu.memory_space<hbm>>
    %dma_wait3A_349 = tpu.memref_squeeze %dma_wait3A_348 : memref<1x1x1x8x128xf32, #tpu.memory_space<hbm>> -> memref<8x128xf32, #tpu.memory_space<hbm>>
    %dma_wait3A_350 = tpu.memref_slice %arg11[%dma_wait3A_341] : memref<2x!tpu.dma_semaphore, #tpu.memory_space<semaphore_mem>> -> memref<1x!tpu.dma_semaphore, #tpu.memory_space<semaphore_mem>>
    %dma_wait3A_351 = tpu.memref_squeeze %dma_wait3A_350 : memref<1x!tpu.dma_semaphore, #tpu.memory_space<semaphore_mem>> -> memref<!tpu.dma_semaphore, #tpu.memory_space<semaphore_mem>>
    %dma_wait3A_352 = arith.constant 0 : i32
    %dma_wait3A_353 = arith.constant 0 : i32
    %dma_wait3A_354 = tpu.memref_slice %arg5[%div3A_225, %dma_wait3A_340, %rem3A_227, %dma_wait3A_352, %dma_wait3A_353] : memref<200x8x32x8x128xf32, #tpu.memory_space<hbm>> -> memref<1x1x1x8x128xf32, #tpu.memory_space<hbm>>
    %dma_wait3A_355 = tpu.memref_squeeze %dma_wait3A_354 : memref<1x1x1x8x128xf32, #tpu.memory_space<hbm>> -> memref<8x128xf32, #tpu.memory_space<hbm>>
    %dma_wait3A_356 = arith.constant 0 : i32
    %dma_wait3A_357 = arith.constant 0 : i32
    %dma_wait3A_358 = tpu.memref_slice %arg8[%dma_wait3A_338, %dma_wait3A_339, %dma_wait3A_356, %dma_wait3A_357] : memref<2x8x8x128xf32, #tpu.memory_space<vmem>> -> memref<1x1x8x128xf32, #tpu.memory_space<vmem>>
    %dma_wait3A_359 = tpu.memref_squeeze %dma_wait3A_358 : memref<1x1x8x128xf32, #tpu.memory_space<vmem>> -> memref<8x128xf32, #tpu.memory_space<vmem>>
    tpu.wait_dma2 semaphore(%dma_wait3A_351 : memref<!tpu.dma_semaphore, #tpu.memory_space<semaphore_mem>>) src(%dma_wait3A_359 : memref<8x128xf32, #tpu.memory_space<vmem>>) dst(%dma_wait3A_355 : memref<8x128xf32, #tpu.memory_space<hbm>>)
    %dma_wait3A_360 = arith.constant 1 : i32
    %dma_wait3A_361 = arith.constant 6 : i32
    %dma_wait3A_362 = arith.constant 6 : i32
    %dma_wait3A_363 = arith.constant 1 : i32
    %dma_wait3A_364 = arith.constant 0 : i32
    %dma_wait3A_365 = arith.constant 0 : i32
    %dma_wait3A_366 = tpu.memref_slice %arg8[%dma_wait3A_360, %dma_wait3A_361, %dma_wait3A_364, %dma_wait3A_365] : memref<2x8x8x128xf32, #tpu.memory_space<vmem>> -> memref<1x1x8x128xf32, #tpu.memory_space<vmem>>
    %dma_wait3A_367 = tpu.memref_squeeze %dma_wait3A_366 : memref<1x1x8x128xf32, #tpu.memory_space<vmem>> -> memref<8x128xf32, #tpu.memory_space<vmem>>
    %dma_wait3A_368 = arith.constant 0 : i32
    %dma_wait3A_369 = arith.constant 0 : i32
    %dma_wait3A_370 = tpu.memref_slice %arg5[%div3A_225, %dma_wait3A_362, %rem3A_227, %dma_wait3A_368, %dma_wait3A_369] : memref<200x8x32x8x128xf32, #tpu.memory_space<hbm>> -> memref<1x1x1x8x128xf32, #tpu.memory_space<hbm>>
    %dma_wait3A_371 = tpu.memref_squeeze %dma_wait3A_370 : memref<1x1x1x8x128xf32, #tpu.memory_space<hbm>> -> memref<8x128xf32, #tpu.memory_space<hbm>>
    %dma_wait3A_372 = tpu.memref_slice %arg11[%dma_wait3A_363] : memref<2x!tpu.dma_semaphore, #tpu.memory_space<semaphore_mem>> -> memref<1x!tpu.dma_semaphore, #tpu.memory_space<semaphore_mem>>
    %dma_wait3A_373 = tpu.memref_squeeze %dma_wait3A_372 : memref<1x!tpu.dma_semaphore, #tpu.memory_space<semaphore_mem>> -> memref<!tpu.dma_semaphore, #tpu.memory_space<semaphore_mem>>
    %dma_wait3A_374 = arith.constant 0 : i32
    %dma_wait3A_375 = arith.constant 0 : i32
    %dma_wait3A_376 = tpu.memref_slice %arg5[%div3A_225, %dma_wait3A_362, %rem3A_227, %dma_wait3A_374, %dma_wait3A_375] : memref<200x8x32x8x128xf32, #tpu.memory_space<hbm>> -> memref<1x1x1x8x128xf32, #tpu.memory_space<hbm>>
    %dma_wait3A_377 = tpu.memref_squeeze %dma_wait3A_376 : memref<1x1x1x8x128xf32, #tpu.memory_space<hbm>> -> memref<8x128xf32, #tpu.memory_space<hbm>>
    %dma_wait3A_378 = arith.constant 0 : i32
    %dma_wait3A_379 = arith.constant 0 : i32
    %dma_wait3A_380 = tpu.memref_slice %arg8[%dma_wait3A_360, %dma_wait3A_361, %dma_wait3A_378, %dma_wait3A_379] : memref<2x8x8x128xf32, #tpu.memory_space<vmem>> -> memref<1x1x8x128xf32, #tpu.memory_space<vmem>>
    %dma_wait3A_381 = tpu.memref_squeeze %dma_wait3A_380 : memref<1x1x8x128xf32, #tpu.memory_space<vmem>> -> memref<8x128xf32, #tpu.memory_space<vmem>>
    tpu.wait_dma2 semaphore(%dma_wait3A_373 : memref<!tpu.dma_semaphore, #tpu.memory_space<semaphore_mem>>) src(%dma_wait3A_381 : memref<8x128xf32, #tpu.memory_space<vmem>>) dst(%dma_wait3A_377 : memref<8x128xf32, #tpu.memory_space<hbm>>)
    %dma_wait3A_382 = arith.constant 1 : i32
    %dma_wait3A_383 = arith.constant 7 : i32
    %dma_wait3A_384 = arith.constant 7 : i32
    %dma_wait3A_385 = arith.constant 1 : i32
    %dma_wait3A_386 = arith.constant 0 : i32
    %dma_wait3A_387 = arith.constant 0 : i32
    %dma_wait3A_388 = tpu.memref_slice %arg8[%dma_wait3A_382, %dma_wait3A_383, %dma_wait3A_386, %dma_wait3A_387] : memref<2x8x8x128xf32, #tpu.memory_space<vmem>> -> memref<1x1x8x128xf32, #tpu.memory_space<vmem>>
    %dma_wait3A_389 = tpu.memref_squeeze %dma_wait3A_388 : memref<1x1x8x128xf32, #tpu.memory_space<vmem>> -> memref<8x128xf32, #tpu.memory_space<vmem>>
    %dma_wait3A_390 = arith.constant 0 : i32
    %dma_wait3A_391 = arith.constant 0 : i32
    %dma_wait3A_392 = tpu.memref_slice %arg5[%div3A_225, %dma_wait3A_384, %rem3A_227, %dma_wait3A_390, %dma_wait3A_391] : memref<200x8x32x8x128xf32, #tpu.memory_space<hbm>> -> memref<1x1x1x8x128xf32, #tpu.memory_space<hbm>>
    %dma_wait3A_393 = tpu.memref_squeeze %dma_wait3A_392 : memref<1x1x1x8x128xf32, #tpu.memory_space<hbm>> -> memref<8x128xf32, #tpu.memory_space<hbm>>
    %dma_wait3A_394 = tpu.memref_slice %arg11[%dma_wait3A_385] : memref<2x!tpu.dma_semaphore, #tpu.memory_space<semaphore_mem>> -> memref<1x!tpu.dma_semaphore, #tpu.memory_space<semaphore_mem>>
    %dma_wait3A_395 = tpu.memref_squeeze %dma_wait3A_394 : memref<1x!tpu.dma_semaphore, #tpu.memory_space<semaphore_mem>> -> memref<!tpu.dma_semaphore, #tpu.memory_space<semaphore_mem>>
    %dma_wait3A_396 = arith.constant 0 : i32
    %dma_wait3A_397 = arith.constant 0 : i32
    %dma_wait3A_398 = tpu.memref_slice %arg5[%div3A_225, %dma_wait3A_384, %rem3A_227, %dma_wait3A_396, %dma_wait3A_397] : memref<200x8x32x8x128xf32, #tpu.memory_space<hbm>> -> memref<1x1x1x8x128xf32, #tpu.memory_space<hbm>>
    %dma_wait3A_399 = tpu.memref_squeeze %dma_wait3A_398 : memref<1x1x1x8x128xf32, #tpu.memory_space<hbm>> -> memref<8x128xf32, #tpu.memory_space<hbm>>
    %dma_wait3A_400 = arith.constant 0 : i32
    %dma_wait3A_401 = arith.constant 0 : i32
    %dma_wait3A_402 = tpu.memref_slice %arg8[%dma_wait3A_382, %dma_wait3A_383, %dma_wait3A_400, %dma_wait3A_401] : memref<2x8x8x128xf32, #tpu.memory_space<vmem>> -> memref<1x1x8x128xf32, #tpu.memory_space<vmem>>
    %dma_wait3A_403 = tpu.memref_squeeze %dma_wait3A_402 : memref<1x1x8x128xf32, #tpu.memory_space<vmem>> -> memref<8x128xf32, #tpu.memory_space<vmem>>
    tpu.wait_dma2 semaphore(%dma_wait3A_395 : memref<!tpu.dma_semaphore, #tpu.memory_space<semaphore_mem>>) src(%dma_wait3A_403 : memref<8x128xf32, #tpu.memory_space<vmem>>) dst(%dma_wait3A_399 : memref<8x128xf32, #tpu.memory_space<hbm>>)
    return
  }
}

</mosaic_0001>

<sc_bundles>
// kernel: _sc_embed.3.cloned.1.call-start
scs
__scs_entry_jumppad:
0x0: {  	(pc) =	sbr.rel $0x88, $3  }
0x1: {  	(tag) =	ssettag $0x0;
	lr =	simm.s32 $0x1  }
0x2: {  	[smem:$0x3F9E] =	sst lr;
	_ =	strace $0xD0000000  }
0x3: {  	_ = 	snop  }
0x4: {  	_ = 	snop  }
0x5: {  	_ = 	snop  }
0x6: {  	_ = 	snop  }
0x7: {  	_ = 	snop  }
__scs_overlays_trampoline_lowered:
0x8: {  	[smem:$0x3FAD] =	sst s0  }
0x9: {  	[smem:$0x3FAE] =	sst s1  }
0xa: {  	[smem:$0x3FAF] =	sst s2  }
0xb: {  	[smem:$0x3FB0] =	sst s3  }
0xc: {  	[smem:$0x3FB1] =	sst s4  }
0xd: {  	[smem:$0x3FB2] =	sst s5  }
0xe: {  	[smem:$0x3FB3] =	sst s6  }
0xf: {  	[smem:$0x3FB4] =	sst s7  }
0x10: {  	[smem:$0x3FB5] =	sst s8  }
0x11: {  	[smem:$0x3FB6] =	sst s9;
	s0 =	simm.s32 @!p0 $0x0  }
0x12: {  	s1 =	sld [smem:$0x3F9C];
	s0 =	simm.s32 @p0 $0x1  }
0x13: {  	[smem:$0x3FB7] =	sst s0;
	s0 =	simm.s32 @!p1 $0x0  }
0x14: {  	s2 =	sld [smem:$0x3F9B];
	s0 =	simm.s32 @p1 $0x1  }
0x15: {  	[smem:$0x3FB8] =	sst s0;
	s0 =	simm.s32 @!p2 $0x0  }
0x16: {  	s3 =	sld [smem:$0x3FDB];
	s0 =	simm.s32 @p2 $0x1  }
0x17: {  	s4 =	simm.s32 $0x1BF5;
	[smem:$0x3FBA] =	sst s0  }
0x18: {  	s0 =	sld [smem:$0x3F9D];
	_ =	swait.ge [sflag:s4], $0x0  }
0x19: {  	s7 =	sld [smem:$0x3F9E]  }
0x1a: {  	s8 =	sadd.s32 $0xFFFFE003, lr  }
0x1b: {  	s9 =	sadd.s32 $0xFFFFFEF7, lr;
	s5 =	simm.s32 $0xFFFFFFFF;
	p2 =	slt.u32 s8, $0xFFFFF086  }
0x1c: {  	p1 =	slt.u32 s9, $0xF7A;
	s5 =	simm.s32 @!p2 $0x0  }
0x1d: {  	s5 =	simm.s32 @p1 $0x1;
	p0 =	seq.s32 s7, s2  }
0x1e: {  	s7 =	smul.u32 @!p0 $0xF7A, s2;
	p2 =	seq.s32 @!p0 s5, $0x0  }
0x1f: {  	s9 =	smul.u32 $0xF7A, s1;
	s8 =	simm.s32 @!p0 $0x1BF5;
	p2 =	por !p2, p0  }
0x20: {  	[sflag:s8] =	ssyncset.s32 @!p0 $0xFFFFF086;
	s6 =	sadd.s32 @!p0 s3, s7;
	s7 =	simm.s32 @!p0 $0x108  }
0x21: {  	s3 =	sadd.s32 s3, s9;
	s6 =	sadd.s32 @!p0 $0x88, s6;
	s7 =	simm.s32 @p2 $0x1082  }
0x22: {  	[simem:s7], [sflag:s8] =	dma.local @!p0 [hbm:s6], $0xF7A  }
0x23: {  	s9 =	sor.u32 $0xD0000000, s2;
	s6 =	simm.s32 $0x108;
	_ =	swait.ge @!p0 [sflag:s8], $0x0  }
0x24: {  	s3 =	sadd.s32 $0x88, s3;
	s6 =	simm.s32 @!p1 $0x1082;
	[sflag:s4] =	ssyncset.s32 $0xFFFFF086  }
0x25: {  	[simem:s6], [sflag:s4] =	dma.local [hbm:s3], $0xF7A  }
0x26: {  	[smem:$0x3F9E] =	sst s1;
	(tag) =	ssettag s2;
	_ =	strace s9  }
0x27: {  	s1 =	sld [smem:$0x3FAE]  }
0x28: {  	s2 =	sld [smem:$0x3FAF]  }
0x29: {  	s4 =	sld [smem:$0x3FB1]  }
0x2a: {  	p0 =	seq.s32 s5, $0x0;
	s5 =	sld [smem:$0x3FB2]  }
0x2b: {  	s6 =	sld [smem:$0x3FB3]  }
0x2c: {  	s7 =	sld [smem:$0x3FB4]  }
0x2d: {  	s3 =	simm.s32 $0x108;
	s8 =	sld [smem:$0x3FB5]  }
0x2e: {  	s3 =	simm.s32 @!p0 $0x1082;
	s9 =	sld [smem:$0x3FB6]  }
0x2f: {  	lr =	sadd.s32 s0, s3;
	s0 =	sld [smem:$0x3FAD]  }
0x30: {  	s3 =	sld [smem:$0x3FB0]  }
0x31: {  	[smem:$0x3FB9] =	sst s10  }
0x32: {  	s10 =	sld [smem:$0x3FB7];
	_ =	sdelay $0x3  }
0x33: {  	p0 =	seq.s32 s10, $0x1;
	s10 =	sld [smem:$0x3FB9];
	_ =	sdelay $0x3  }
0x34: {  	[smem:$0x3FB9] =	sst s10  }
0x35: {  	s10 =	sld [smem:$0x3FB8];
	_ =	sdelay $0x3  }
0x36: {  	p1 =	seq.s32 s10, $0x1;
	s10 =	sld [smem:$0x3FB9];
	_ =	sdelay $0x3  }
0x37: {  	[smem:$0x3FB9] =	sst s10  }
0x38: {  	s10 =	sld [smem:$0x3FBA]  }
0x39: {  	_ = 	snop;
	(pc) =	sbr.ind lr, $3  }
0x3a: {  	_ = 	snop  }
0x3b: {  	_ = 	snop  }
0x3c: {  	p2 =	seq.s32 s10, $0x1;
	s10 =	sld [smem:$0x3FB9]  }
0x3d: {  	_ =	shalt  }
0x3e: {  	_ =	shalt  }
0x3f: {  	_ =	shalt  }
0x40: {  	_ =	shalt  }
0x41: {  	_ =	shalt  }
0x42: {  	_ =	shalt  }
0x43: {  	_ =	shalt  }
0x44: {  	_ =	shalt  }
0x45: {  	_ =	shalt  }
0x46: {  	_ =	shalt  }
0x47: {  	_ =	shalt  }
0x48: {  	_ =	shalt  }
0x49: {  	_ =	shalt  }
0x4a: {  	_ =	shalt  }
0x4b: {  	_ =	shalt  }
0x4c: {  	_ =	shalt  }
0x4d: {  	_ =	shalt  }
0x4e: {  	_ =	shalt  }
0x4f: {  	_ =	shalt  }
0x50: {  	_ =	shalt  }
0x51: {  	_ =	shalt  }
0x52: {  	_ =	shalt  }
0x53: {  	_ =	shalt  }
0x54: {  	_ =	shalt  }
0x55: {  	_ =	shalt  }
0x56: {  	_ =	shalt  }
0x57: {  	_ =	shalt  }
0x58: {  	_ =	shalt  }
0x59: {  	_ =	shalt  }
0x5a: {  	_ =	shalt  }
0x5b: {  	_ =	shalt  }
0x5c: {  	_ =	shalt  }
0x5d: {  	_ =	shalt  }
0x5e: {  	_ =	shalt  }
0x5f: {  	_ =	shalt  }
0x60: {  	_ =	shalt  }
0x61: {  	_ =	shalt  }
0x62: {  	_ =	shalt  }
0x63: {  	_ =	shalt  }
0x64: {  	_ =	shalt  }
0x65: {  	_ =	shalt  }
0x66: {  	_ =	shalt  }
0x67: {  	_ =	shalt  }
0x68: {  	_ =	shalt  }
0x69: {  	_ =	shalt  }
0x6a: {  	_ =	shalt  }
0x6b: {  	_ =	shalt  }
0x6c: {  	_ =	shalt  }
0x6d: {  	_ =	shalt  }
0x6e: {  	_ =	shalt  }
0x6f: {  	_ =	shalt  }
0x70: {  	_ =	shalt  }
0x71: {  	_ =	shalt  }
0x72: {  	_ =	shalt  }
0x73: {  	_ =	shalt  }
0x74: {  	_ =	shalt  }
0x75: {  	_ =	shalt  }
0x76: {  	_ =	shalt  }
0x77: {  	_ =	shalt  }
0x78: {  	_ =	shalt  }
0x79: {  	_ =	shalt  }
0x7a: {  	_ =	shalt  }
0x7b: {  	_ =	shalt  }
0x7c: {  	_ =	shalt  }
0x7d: {  	_ =	shalt  }
0x7e: {  	_ =	shalt  }
0x7f: {  	_ =	shalt  }
0x80: {  	_ =	shalt  }
0x81: {  	_ =	shalt  }
0x82: {  	_ =	shalt  }
0x83: {  	_ =	shalt  }
0x84: {  	_ =	shalt  }
0x85: {  	_ =	shalt  }
0x86: {  	_ =	shalt  }
0x87: {  	_ =	shalt  }
.Lfunc_end0:
.L_simem_size_0:
called_computation_lowered:
.L_overlay_start_0:
0x88: {  	s2 =	sld [smem:$0x3FD9]  }
0x89: {  	s3 =	sld [smem:$0x3FFE];
	_ =	sdelay $0x1  }
0x8a: {  	s1 =	srdreg.scid  }
0x8b: {  	s0 =	sand.u32 $0x1, s1  }
0x8c: {  	s17 =	sshll.u32 s0, $0xA;
	s2 =	sadd.s32 s3, s2  }
0x8d: {  	s2 =	sadd.s32 s2, s17  }
0x8e: {  	[smem:$0x3FC5] =	sst s2  }
0x8f: {  	_ = 	snop  }
0x90: {  	s2 =	sld [smem:$0x3FC9]  }
0x91: {  	s18 =	sld [smem:$0x3FD0];
	(tm) =	ssettm $0x1  }
0x92: {  	s4 =	sld [smem:$0x3FFB];
	_ =	sdelay $0x3  }
0x93: {  	_ =	strace s4  }
0x94: {  	s4 =	sld [smem:$0x3FFC];
	_ =	sdelay $0x3  }
0x95: {  	_ =	strace s4  }
0x96: {  	s4 =	sld [smem:$0x3FFD];
	_ =	sdelay $0x3  }
0x97: {  	_ =	strace s4  }
0x98: {  	_ =	strace $0x8FFFFFFF  }
0x99: {  	s19 =	sld [smem:$0x3FDB];
	_ =	sdelay $0x1  }
0x9a: {  	s5 =	simm.s32 $_scs_section_size  }
0x9b: {  	s6 =	simm.s32 $_size__tile_overlayer_lowered;
	s7 =	simm.s32 $_tile_overlayer_lowered  }
0x9c: {  	s22 =	simm.s32 $0x1BFF;
	s21 =	sshll.u32 s7, $0x1;
	s4 =	sadd.s32 s5, s19  }
0x9d: {  	s8 =	simm.s32 $0x0;
	s20 =	sshll.u32 s6, $0x1;
	s6 =	sadd.s32 s21, s4  }
0x9e: {  	[timem:s8], [sflag:s22] =	dma.local [hbm:s6], s20  }
0x9f: {  	_ =	swait.ge [sflag:s22], s20  }
0xa0: {  	s5 =	ssub.s32 $0x0, s20;
	[sflag:s22] =	ssyncset.done $0x0  }
0xa1: {  	[sflag:s22] =	ssyncadd.s32 s5;
	_ =	sdelay $0x1  }
0xa2: {  	s23 =	simm.s32 $0x1B8B  }
0xa3: {  	_ =	swait.ge [sflag:s23], $0x1  }
0xa4: {  	[sflag:s23] =	ssyncset.done $0x0  }
0xa5: {  	s25 =	simm.s32 $0x1B8E;
	s24 =	sld [smem:$0x3FFE];
	[sflag:s23] =	ssyncadd.s32 $0xFFFFFFFF  }
0xa6: {  	s26 =	simm.s32 $execute0_lowered;
	[smem:$0x3FD2] =	sst s25  }
0xa7: {  	s6 =	sshll.u32 s26, $0x1;
	_ =	strace $0x80000046;
	[dreg:$0x1] =	wrdreg $0xFFFFFFFF  }
0xa8: {  	s28 =	simm.s32 $_size_execute0_lowered;
	s4 =	sadd.s32 s4, s6;
	[dreg:$0x0] =	wrdreg $0x0  }
0xa9: {  	s6 =	sshll.u32 s28, $0x1;
	[dreg:$0x2] =	wrdreg s4  }
0xaa: {  	[dreg:$0x3] =	wrdreg s6  }
0xab: {  	[dreg:$0x4] =	wrdreg $0xC0  }
0xac: {  	_ =	task [dreg:s8], $0x5FFFF  }
0xad: {  	[dreg:$0x1] =	wrdreg $0xFFFFFFFF  }
0xae: {  	[dreg:$0x0] =	wrdreg $0x60  }
0xaf: {  	[dreg:$0x2] =	wrdreg s2  }
0xb0: {  	[dreg:$0x3] =	wrdreg s24  }
0xb1: {  	[dreg:$0x4] =	wrdreg s18  }
0xb2: {  	[dreg:$0x5] =	wrdreg $0x9  }
0xb3: {  	_ =	task.clear_ibuf [dreg:s8], $0x6FFFF;
	_ =	strace $0x90000046  }
0xb4: {  	s29 =	simm.s32 $0x9;
	_ =	strace $0x80000048  }
0xb5: {  	_ =	swait.ge [sflag:s29], $0x1  }
0xb6: {  	[sflag:s29] =	ssyncadd.s32 $0xFFFFFFFF  }
0xb7: {  	_ =	strace $0x90000048  }
0xb8: {  	_ =	sfence  }
0xb9: {  	s30 =	sld [smem:$0x0];
	_ =	sdelay $0x2  }
0xba: {  	s31 =	sshll.u32 s1, $0xD;
	s1 =	sshrl.u32 s1, $0x2  }
0xbb: {  	s3 =	sand.u32 $0x4000, s31;
	s1 =	sadd.s32 s1, s30  }
0xbc: {  	s0 =	sor.u32 s3, s0;
	s1 =	sshll.u32 s1, $0x11  }
0xbd: {  	s0 =	sor.u32 s1, s0  }
0xbe: {  	s0 =	sadd.s32 $0x8F2B, s0  }
0xbf: {  	[sflag:s0] =	ssyncadd.remote.s32 $0x1  }
0xc0: {  	_ =	sfence.sel $0xFFFF  }
0xc1: {  	[dreg:$0x0] =	wrdreg $0xFFFFFFFF;
	(pc) =	sbr.abs _section_cstart, $3  }
0xc2: {  	[dreg:$0x1] =	wrdreg $0xFFFFFFFF  }
0xc3: {  	_ =	task.clear_ibuf [dreg:s8], $0x2FFFF;
	_ =	strace $0x9FFFFFFF  }
0xc4: {  	(tm) =	ssettm $0x7FFFFFFF  }
0xc5: {  	_ =	shalt  }
tec
execute0_lowered:
.L_overlay_start_1:
0x0: {  	(tag) =	ssettag $0x1  }
0x1: {  	s0 =	rddreg [dreg:$0x0]  }
0x2: {  	s1 =	rddreg [dreg:$0x1]  }
0x3: {  	s2 =	rddreg [dreg:$0x2]  }
0x4: {  	s4 =	srdreg.scid;
	s5 =	stileid.u32  }
0x5: {  	s3 =	simm.s32 $0x0;
	s16 =	simm.s32 $0x10400;
	s19 =	simm.s32 $0x6400  }
0x6: {  	s24 =	simm.s32 $0x0;
	s4 =	sand.u32 $0x1, s4;
	s5 =	sshll.u32 s5, $0x1  }
0x7: {  	[smem:$0x7FF] =	sst s3;
	s9 =	sadd.s32 $0x2000, s2;
	s10 =	sadd.s32 $0x3000, s2  }
0x8: {  	s11 =	sadd.s32 $0x4000, s2;
	s12 =	sadd.s32 $0x5000, s2;
	s13 =	sadd.s32 $0x6000, s2  }
0x9: {  	v0 =	vlaneseq.u32;
	s14 =	sadd.s32 $0x7000, s2;
	s6 =	ssub.s32 $0x2, s4;
	s5 =	sor.u32 s4, s5  }
0xa: {  	v0 =	vmul.u32 $0x40, v0;
	s4 =	sadd.s32 $0x1E84E00, s1;
	s1 =	sadd.s32 $0x600, s1;
	s8 =	smul.u32 $0xC80, s5  }
0xb: {  	_ =	strace $0x80000047;
	s7 =	sshrl.u32 s6, $0x1;
	[dreg:$0x4] =	wrdreg s1  }
0xc: {  	v1 =	vor.u32 $0x400, v0;
	s30 =	ssub.s32 s6, s7;
	s6 =	smul.u32 $0xC8, s5;
	s0 =	sadd.s32 s0, s8  }
0xd: {  	v2 =	vor.u32 $0x800, v0;
	v3 =	vor.u32 $0xC00, v0;
	v4 =	vor.u32 $0x1000, v0;
	s7 =	simm.s32 $0x6;
	s31 =	smax.u32 s30, $0x1;
	[dreg:$0x5] =	wrdreg s0  }
0xe: {  	v5 =	vor.u32 $0x1400, v0;
	v6 =	vor.u32 $0x1800, v0;
	v7 =	vor.u32 $0x1C00, v0;
	s5 =	simm.s32 $0x0;
	s8 =	sadd.s32 $0x1000, s2;
	[dreg:$0x6] =	wrdreg s31  }
.LBB2_1:
0xf: {  	[dreg:$0x7] =	wrdreg s5  }
0x10: {  	s0 =	rddreg [dreg:$0x4]  }
0x11: {  	[tilespmem:s16], [sflag:$0x6] =	stream.linear.gather [hbm4b:s0+s3], $0x3200, $0x38;
	[tilespmem:$0x13600] =	vst v63  }
0x12: {  	_ =	swait.ge [sflag:s7], $0x3200  }
0x13: {  	[sflag:s7] =	ssyncset.done $0x0  }
0x14: {  	s0 =	simm.s32 $0x10480;
	[sflag:s7] =	ssyncadd.s32 $0xFFFFCE00  }
0x15: {  	v8 =	vld [tilespmem:s0+$0x70]  }
0x16: {  	v9 =	vld [tilespmem:s0+$0xFFFFFF90]  }
0x17: {  	v10 =	vld [tilespmem:s0+$0xFFFFFFA0]  }
0x18: {  	v11 =	vld [tilespmem:s0+$0xFFFFFFB0]  }
0x19: {  	v12 =	vld [tilespmem:s0+$0xFFFFFFC0]  }
0x1a: {  	v13 =	vld [tilespmem:s0+$0xFFFFFFD0];
	v8 =	vmul.f32 $1.250000000e-01, v8  }
0x1b: {  	v14 =	vld [tilespmem:s0+$0xFFFFFFE0];
	v9 =	vmul.f32 $1.250000000e-01, v9  }
0x1c: {  	v15 =	vld [tilespmem:s0+$0xFFFFFFF0];
	v10 =	vmul.f32 $1.250000000e-01, v10;
	[tilespmem:s0+$0x70] =	vst v8  }
0x1d: {  	[tilespmem:s0+$0xFFFFFF90] =	vst v9;
	v8 =	vmul.f32 $1.250000000e-01, v11;
	v11 =	vld [tilespmem:s0+$0x0]  }
0x1e: {  	[tilespmem:s0+$0xFFFFFFA0] =	vst v10;
	v9 =	vmul.f32 $1.250000000e-01, v12;
	v12 =	vld [tilespmem:s0+$0x10]  }
0x1f: {  	v16 =	vld [tilespmem:s0+$0x20];
	v10 =	vmul.f32 $1.250000000e-01, v13;
	[tilespmem:s0+$0xFFFFFFB0] =	vst v8  }
0x20: {  	v13 =	vmul.f32 $1.250000000e-01, v14;
	[tilespmem:s0+$0xFFFFFFC0] =	vst v9;
	v8 =	vld [tilespmem:s0+$0x30]  }
0x21: {  	v14 =	vmul.f32 $1.250000000e-01, v15;
	[tilespmem:s0+$0xFFFFFFD0] =	vst v10;
	v9 =	vld [tilespmem:s0+$0x40]  }
0x22: {  	[tilespmem:s0+$0xFFFFFFE0] =	vst v13;
	v10 =	vld [tilespmem:s0+$0x50];
	v15 =	vmul.f32 $1.250000000e-01, v11  }
0x23: {  	[tilespmem:s0+$0xFFFFFFF0] =	vst v14;
	v11 =	vld [tilespmem:s0+$0x60];
	v13 =	vmul.f32 $1.250000000e-01, v12  }
0x24: {  	s1 =	simm.s32 $0x0;
	s5 =	simm.s32 $0x10580;
	v14 =	vmul.f32 $1.250000000e-01, v16;
	v12 =	vld [tilespmem:s0+$0xFFFFFF80];
	[tilespmem:s0+$0x0] =	vst v15  }
.LBB2_2:
0x25: {  	v15 =	vld [tilespmem:s5+$0x70];
	s1 =	sadd.s32 $0x4, s1;
	[tilespmem:s0+$0x10] =	vst v13;
	v8 =	vmul.f32 $1.250000000e-01, v8  }
0x26: {  	v13 =	vld [tilespmem:s5+$0xFFFFFF90];
	p0 =	slt.u32 s1, $0xC4;
	[tilespmem:s0+$0x20] =	vst v14;
	v9 =	vmul.f32 $1.250000000e-01, v9  }
0x27: {  	v14 =	vld [tilespmem:s5+$0xFFFFFFA0];
	[tilespmem:s0+$0x30] =	vst v8;
	v8 =	vmul.f32 $1.250000000e-01, v10  }
0x28: {  	v10 =	vld [tilespmem:s5+$0xFFFFFFB0];
	[tilespmem:s0+$0x40] =	vst v9;
	v9 =	vmul.f32 $1.250000000e-01, v11  }
0x29: {  	v11 =	vld [tilespmem:s5+$0xFFFFFFC0];
	v12 =	vmul.f32 $1.250000000e-01, v12;
	[tilespmem:s0+$0x50] =	vst v8  }
0x2a: {  	v8 =	vld [tilespmem:s5+$0xFFFFFFD0];
	v15 =	vmul.f32 $1.250000000e-01, v15;
	[tilespmem:s0+$0x60] =	vst v9  }
0x2b: {  	v9 =	vmul.f32 $1.250000000e-01, v13;
	v13 =	vld [tilespmem:s5+$0xFFFFFFE0];
	[tilespmem:s0+$0xFFFFFF80] =	vst v12;
	s0 =	smov.u32 s5  }
0x2c: {  	v12 =	vmul.f32 $1.250000000e-01, v14;
	v14 =	vld [tilespmem:s5+$0xFFFFFFF0];
	[tilespmem:s5+$0x70] =	vst v15  }
0x2d: {  	[tilespmem:s5+$0xFFFFFF90] =	vst v9;
	v9 =	vmul.f32 $1.250000000e-01, v10;
	v10 =	vld [tilespmem:s5+$0x0]  }
0x2e: {  	[tilespmem:s5+$0xFFFFFFA0] =	vst v12;
	v11 =	vmul.f32 $1.250000000e-01, v11;
	v12 =	vld [tilespmem:s5+$0x10]  }
0x2f: {  	[tilespmem:s5+$0xFFFFFFB0] =	vst v9;
	v9 =	vmul.f32 $1.250000000e-01, v8;
	v15 =	vld [tilespmem:s5+$0x20]  }
.Ltmp0:
0x30: {  	[tilespmem:s5+$0xFFFFFFC0] =	vst v11;
	v11 =	vmul.f32 $1.250000000e-01, v13;
	v8 =	vld [tilespmem:s5+$0x30];
	(pc) =	sbr.rel @p0 .LBB2_2-.Ltmp0, $4  }
0x31: {  	[tilespmem:s5+$0xFFFFFFD0] =	vst v9;
	v13 =	vmul.f32 $1.250000000e-01, v14;
	v9 =	vld [tilespmem:s5+$0x40]  }
0x32: {  	[tilespmem:s5+$0xFFFFFFE0] =	vst v11;
	v14 =	vmul.f32 $1.250000000e-01, v10;
	v10 =	vld [tilespmem:s5+$0x50]  }
0x33: {  	[tilespmem:s5+$0xFFFFFFF0] =	vst v13;
	v13 =	vmul.f32 $1.250000000e-01, v12;
	v11 =	vld [tilespmem:s5+$0x60]  }
0x34: {  	s5 =	sadd.s32 $0x100, s5;
	v12 =	vld [tilespmem:s0+$0xFFFFFF80];
	[tilespmem:s0+$0x0] =	vst v14;
	v14 =	vmul.f32 $1.250000000e-01, v15  }
0x35: {  	[tilespmem:s0+$0x10] =	vst v13;
	v8 =	vmul.f32 $1.250000000e-01, v8  }
0x36: {  	[tilespmem:s0+$0x20] =	vst v14;
	v9 =	vmul.f32 $1.250000000e-01, v9  }
0x37: {  	[tilespmem:s0+$0x30] =	vst v8;
	v8 =	vmul.f32 $1.250000000e-01, v10  }
0x38: {  	[tilespmem:s0+$0x40] =	vst v9;
	v9 =	vmul.f32 $1.250000000e-01, v11  }
0x39: {  	v10 =	vmul.f32 $1.250000000e-01, v12;
	[tilespmem:s0+$0x50] =	vst v8  }
0x3a: {  	[tilespmem:s0+$0x60] =	vst v9  }
0x3b: {  	[tilespmem:s0+$0xFFFFFF80] =	vst v10  }
0x3c: {  	s0 =	rddreg [dreg:$0x5]  }
0x3d: {  	[tilespmem:s3], [sflag:$0x6] =	stream.linear.gather [hbm4b:s0+s3], $0x6400, $0x38;
	[tilespmem:$0x13600] =	vst v63  }
0x3e: {  	_ =	swait.ge [sflag:s7], $0x6400  }
0x3f: {  	[sflag:s7] =	ssyncset.done $0x0  }
0x40: {  	s0 =	simm.s32 $0x80;
	[sflag:s7] =	ssyncadd.s32 $0xFFFF9C00  }
0x41: {  	v9 =	vld [tilespmem:s0+$0xFFFFFF90]  }
0x42: {  	v8 =	vld [tilespmem:s0+$0x70]  }
0x43: {  	v10 =	vld [tilespmem:s0+$0xFFFFFFA0]  }
0x44: {  	v13 =	vld [tilespmem:s0+$0xFFFFFFD0]  }
0x45: {  	v11 =	vld [tilespmem:s0+$0xFFFFFFB0]  }
0x46: {  	v12 =	vld [tilespmem:s0+$0xFFFFFFC0];
	v9 =	vshll.u32 v9, $0x1  }
0x47: {  	v15 =	vld [tilespmem:s0+$0xFFFFFFF0];
	v8 =	vshll.u32 v8, $0x1;
	[tilespmem:s0+$0xFFFFFF90] =	vst v9  }
0x48: {  	v14 =	vld [tilespmem:s0+$0xFFFFFFE0];
	[tilespmem:s0+$0x70] =	vst v8;
	v8 =	vshll.u32 v10, $0x1  }
0x49: {  	v10 =	vld [tilespmem:s0+$0x0];
	v9 =	vshll.u32 v13, $0x1;
	[tilespmem:s0+$0xFFFFFFA0] =	vst v8  }
0x4a: {  	v8 =	vshll.u32 v11, $0x1;
	v11 =	vld [tilespmem:s0+$0x10];
	[tilespmem:s0+$0xFFFFFFD0] =	vst v9  }
0x4b: {  	v16 =	vld [tilespmem:s0+$0x20];
	[tilespmem:s0+$0xFFFFFFB0] =	vst v8;
	v8 =	vshll.u32 v12, $0x1  }
0x4c: {  	v13 =	vshll.u32 v15, $0x1;
	[tilespmem:s0+$0xFFFFFFC0] =	vst v8;
	v8 =	vld [tilespmem:s0+$0x30]  }
0x4d: {  	v9 =	vld [tilespmem:s0+$0x40];
	[tilespmem:s0+$0xFFFFFFF0] =	vst v13;
	v12 =	vshll.u32 v14, $0x1  }
0x4e: {  	[tilespmem:s0+$0xFFFFFFE0] =	vst v12;
	v12 =	vshll.u32 v10, $0x1;
	v10 =	vld [tilespmem:s0+$0x50]  }
0x4f: {  	[tilespmem:s0+$0x0] =	vst v12;
	v13 =	vshll.u32 v11, $0x1;
	v11 =	vld [tilespmem:s0+$0x60]  }
0x50: {  	s1 =	simm.s32 $0x0;
	s5 =	simm.s32 $0x180;
	v12 =	vld [tilespmem:s0+$0xFFFFFF80];
	[tilespmem:s0+$0x10] =	vst v13;
	v13 =	vshll.u32 v16, $0x1  }
.LBB2_4:
0x51: {  	v14 =	vld [tilespmem:s5+$0x70];
	s1 =	sadd.s32 $0x2, s1;
	[tilespmem:s0+$0x20] =	vst v13;
	v8 =	vshll.u32 v8, $0x1  }
0x52: {  	v13 =	vld [tilespmem:s5+$0xFFFFFF90];
	p0 =	slt.u32 s1, $0xC6;
	[tilespmem:s0+$0x30] =	vst v8;
	v8 =	vshll.u32 v9, $0x1  }
0x53: {  	v9 =	vld [tilespmem:s5+$0xFFFFFFA0];
	[tilespmem:s0+$0x40] =	vst v8;
	v8 =	vshll.u32 v10, $0x1  }
0x54: {  	v10 =	vld [tilespmem:s5+$0xFFFFFFB0];
	[tilespmem:s0+$0x50] =	vst v8;
	v8 =	vshll.u32 v11, $0x1  }
0x55: {  	v11 =	vld [tilespmem:s5+$0xFFFFFFC0];
	v12 =	vshll.u32 v12, $0x1;
	[tilespmem:s0+$0x60] =	vst v8  }
0x56: {  	v8 =	vld [tilespmem:s5+$0xFFFFFFD0];
	v14 =	vshll.u32 v14, $0x1;
	[tilespmem:s0+$0xFFFFFF80] =	vst v12;
	s0 =	smov.u32 s5  }
0x57: {  	v12 =	vshll.u32 v13, $0x1;
	v13 =	vld [tilespmem:s5+$0xFFFFFFE0];
	[tilespmem:s5+$0x70] =	vst v14  }
0x58: {  	[tilespmem:s5+$0xFFFFFF90] =	vst v12;
	v9 =	vshll.u32 v9, $0x1;
	v12 =	vld [tilespmem:s5+$0xFFFFFFF0]  }
0x59: {  	[tilespmem:s5+$0xFFFFFFA0] =	vst v9;
	v9 =	vshll.u32 v10, $0x1;
	v10 =	vld [tilespmem:s5+$0x0]  }
0x5a: {  	[tilespmem:s5+$0xFFFFFFB0] =	vst v9;
	v9 =	vshll.u32 v11, $0x1;
	v11 =	vld [tilespmem:s5+$0x10]  }
0x5b: {  	[tilespmem:s5+$0xFFFFFFC0] =	vst v9;
	v8 =	vshll.u32 v8, $0x1;
	v14 =	vld [tilespmem:s5+$0x20]  }
.Ltmp1:
0x5c: {  	[tilespmem:s5+$0xFFFFFFD0] =	vst v8;
	v9 =	vshll.u32 v13, $0x1;
	v8 =	vld [tilespmem:s5+$0x30];
	(pc) =	sbr.rel @p0 .LBB2_4-.Ltmp1, $4  }
0x5d: {  	[tilespmem:s5+$0xFFFFFFE0] =	vst v9;
	v12 =	vshll.u32 v12, $0x1;
	v9 =	vld [tilespmem:s5+$0x40]  }
0x5e: {  	[tilespmem:s5+$0xFFFFFFF0] =	vst v12;
	v12 =	vshll.u32 v10, $0x1;
	v10 =	vld [tilespmem:s5+$0x50]  }
0x5f: {  	[tilespmem:s5+$0x0] =	vst v12;
	v13 =	vshll.u32 v11, $0x1;
	v11 =	vld [tilespmem:s5+$0x60]  }
0x60: {  	s5 =	sadd.s32 $0x100, s5;
	v12 =	vld [tilespmem:s0+$0xFFFFFF80];
	[tilespmem:s0+$0x10] =	vst v13;
	v13 =	vshll.u32 v14, $0x1  }
0x61: {  	[tilespmem:s0+$0x20] =	vst v13;
	v8 =	vshll.u32 v8, $0x1  }
0x62: {  	[tilespmem:s0+$0x30] =	vst v8;
	v8 =	vshll.u32 v9, $0x1  }
0x63: {  	[tilespmem:s0+$0x40] =	vst v8;
	v8 =	vshll.u32 v10, $0x1  }
0x64: {  	[tilespmem:s0+$0x50] =	vst v8;
	v8 =	vshll.u32 v11, $0x1  }
0x65: {  	v63 =	vshll.u32 v12, $0x1;
	[tilespmem:s0+$0x60] =	vst v8  }
0x66: {  	s31 =	simm.s32 $0x80;
	[tilespmem:s0+$0xFFFFFF80] =	vst v63  }
0x67: {  	[tilespmem:s19], [sflag:$0x1] =	stream.indirect.gather [hbm4b:s4+s31], $0x40, s24, s31, $0xb8;
	[tilespmem:$0x13600] =	vst v63  }
0x68: {  	s1 =	simm.s32 $0x8400;
	p0 =	por $0x0, $0x0;
	s25 =	simm.s32 $0x0  }
0x69: {  	[tilespmem:s1], [sflag:$0x2] =	stream.indirect.gather [hbm4b:s4+s31], $0x40, s31, s31, $0xb8;
	[tilespmem:$0x13600] =	vst v63  }
.LBB2_6:
0x6a: {  	s0 =	smul.u32 $0xAB, s25;
	_ =	sdelay $0x1  }
0x6b: {  	s0 =	sshrl.u32 s0, $0x9  }
0x6c: {  	s0 =	sand.u32 $0x7F, s0  }
0x6d: {  	s0 =	smul.u32 $0x3, s0;
	_ =	sdelay $0x1  }
0x6e: {  	s0 =	ssub.s32 s25, s0  }
0x6f: {  	s0 =	sand.u32 $0xFF, s0  }
0x70: {  	s1 =	sadd.s32 $0x1, s0  }
0x71: {  	_ =	swait.ge [sflag:s1], $0x2000  }
0x72: {  	s26 =	sand.u32 $0x1, s25;
	p1 =	slt.u32 s25, $0x2;
	[sflag:s1] =	ssyncset.done $0x0  }
0x73: {  	[sflag:s1] =	ssyncadd.s32 $0xFFFFE000;
	s1 =	sor.u32 @!p1 $0x4, s26  }
0x74: {  	_ =	swait.ge @!p1 [sflag:s1], $0x400  }
0x75: {  	[sflag:s1] =	ssyncset.done @!p1 $0x0  }
0x76: {  	[sflag:s1] =	ssyncadd.s32 @!p1 $0xFFFFFC00  }
0x77: {  	_ =	swait.ge @!p1 [sflag:s1], $0x400  }
0x78: {  	[sflag:s1] =	ssyncset.done @!p1 $0x0  }
0x79: {  	[sflag:s1] =	ssyncadd.s32 @!p1 $0xFFFFFC00  }
0x7a: {  	_ =	swait.ge @!p1 [sflag:s1], $0x400  }
0x7b: {  	[sflag:s1] =	ssyncset.done @!p1 $0x0  }
0x7c: {  	[sflag:s1] =	ssyncadd.s32 @!p1 $0xFFFFFC00  }
0x7d: {  	_ =	swait.ge @!p1 [sflag:s1], $0x400  }
0x7e: {  	[sflag:s1] =	ssyncset.done @!p1 $0x0  }
0x7f: {  	[sflag:s1] =	ssyncadd.s32 @!p1 $0xFFFFFC00  }
0x80: {  	_ =	swait.ge @!p1 [sflag:s1], $0x400  }
0x81: {  	[sflag:s1] =	ssyncset.done @!p1 $0x0  }
0x82: {  	[sflag:s1] =	ssyncadd.s32 @!p1 $0xFFFFFC00  }
0x83: {  	s28 =	sadd.s32 s6, s25;
	v8 =	vmov s24;
	_ =	swait.ge @!p1 [sflag:s1], $0x400  }
0x84: {  	s29 =	sshrl.u32 s28, $0x5;
	v8 =	vand.u32 $0x3E, v8;
	[sflag:s1] =	ssyncset.done @!p1 $0x0  }
0x85: {  	s5 =	sshll.u32 s29, $0x6;
	v33 =	vbroadcast v8, $0x0;
	[sflag:s1] =	ssyncadd.s32 @!p1 $0xFFFFFC00  }
0x86: {  	s21 =	simm.s32 $0x1;
	v20 =	vmov s5;
	s7 =	sshll.u32 s0, $0xD;
	_ =	swait.ge @!p1 [sflag:s1], $0x400  }
0x87: {  	v9 =	vmov s21;
	v8 =	vor.u32 v20, v33;
	v21 =	vor.u32 s7, v0;
	[sflag:s1] =	ssyncset.done @!p1 $0x0  }
0x88: {  	v9 =	vand.u32 $0x3F, v9;
	v10 =	vor.u32 v21, v33;
	[sflag:s1] =	ssyncadd.s32 @!p1 $0xFFFFFC00  }
0x89: {  	v34 =	vbroadcast v9, $0x0;
	_ =	swait.ge @!p1 [sflag:s1], $0x400  }
0x8a: {  	[sflag:s1] =	ssyncset.done @!p1 $0x0  }
0x8b: {  	v9 =	vor.u32 v20, v34;
	[sflag:s1] =	ssyncadd.s32 @!p1 $0xFFFFFC00  }
0x8c: {  	v16 =	vld.idx.msk [tilespmem:v8+s16+$0x0], $0xffff;
	v8 =	vor.u32 v21, v34  }
0x8d: {  	v10 =	vld.idx.msk [tilespmem:v10+s19+$0x0], $0xffff;
	_ =	sdelay $0x1  }
0x8e: {  	v23 =	vor.u32 s7, v1  }
0x8f: {  	s0 =	simm.s32 $0x1;
	v12 =	vld.idx.msk [tilespmem:v9+s16+$0x0], $0xffff;
	v9 =	vor.u32 v23, v33  }
0x90: {  	s22 =	simm.s32 $0x2;
	s0 =	simm.s32 @!p0 $0x0;
	v13 =	vld.idx.msk [tilespmem:v8+s19+$0x0], $0xffff  }
0x91: {  	s30 =	sshll.u32 s26, $0xD;
	v11 =	vmov s22;
	s0 =	sshll.u32 s0, $0xD;
	v10 =	vadd.f32 v10, v16  }
0x92: {  	v11 =	vand.u32 $0x3E, v11;
	s20 =	sor.u32 $0xC440, s0;
	v8 =	vmov s30  }
0x93: {  	v11 =	vbroadcast v11, $0x0;
	[tilespmem:s20+$0xFFFFFFC0] =	vst v10;
	v10 =	vor.u32 v23, v34  }
0x94: {  	s23 =	simm.s32 $0x80;
	s15 =	simm.s32 $0x3;
	s5 =	simm.s32 $0x0;
	v9 =	vld.idx.msk [tilespmem:v9+s19+$0x0], $0xffff  }
0x95: {  	v15 =	vmov s15;
	v14 =	vor.u32 v20, v11;
	s0 =	sand.u32 $0x380, s23;
	s1 =	sand.u32 $0x1C00, s5;
	v13 =	vadd.f32 v13, v12  }
0x96: {  	v15 =	vand.u32 $0x3F, v15;
	v25 =	vor.u32 s7, v2;
	v17 =	vor.u32 v21, v11;
	s1 =	sor.u32 s0, s1  }
0x97: {  	v18 =	vor.u32 v25, v33;
	[tilespmem:v8+s1+$0xC400 ss:$0x1] =	vst.idx.msk $0xffff, v13;
	v13 =	vbroadcast v15, $0x0  }
0x98: {  	v10 =	vld.idx.msk [tilespmem:v10+s19+$0x0], $0xffff  }
0x99: {  	v15 =	vadd.f32 v9, v16;
	v19 =	vor.u32 v20, v13  }
0x9a: {  	v9 =	vld.idx.msk [tilespmem:v14+s16+$0x0], $0xffff;
	v14 =	vor.u32 v21, v13  }
0x9b: {  	v17 =	vld.idx.msk [tilespmem:v17+s19+$0x0], $0xffff;
	[tilespmem:s20+$0xFFFFFFD0] =	vst v15;
	v15 =	vor.u32 v25, v34  }
0x9c: {  	v18 =	vld.idx.msk [tilespmem:v18+s19+$0x0], $0xffff  }
0x9d: {  	v22 =	vadd.f32 v10, v12  }
0x9e: {  	v26 =	vor.u32 s7, v3;
	v10 =	vld.idx.msk [tilespmem:v19+s16+$0x0], $0xffff;
	v19 =	vor.u32 v23, v11  }
0x9f: {  	s17 =	simm.s32 $0x4;
	v14 =	vld.idx.msk [tilespmem:v14+s19+$0x0], $0xffff;
	[tilespmem:v8+s1+$0xC410 ss:$0x1] =	vst.idx.msk $0xffff, v22;
	v22 =	vor.u32 v26, v33  }
0xa0: {  	v24 =	vmov s17;
	v17 =	vadd.f32 v17, v9;
	v27 =	vld.idx.msk [tilespmem:v15+s19+$0x0], $0xffff  }
0xa1: {  	s31 =	sadd.s32 $0x100, s20;
	v15 =	vand.u32 $0x3E, v24;
	v18 =	vadd.f32 v18, v16  }
0xa2: {  	[tilespmem:s31+$0xFFFFFFC0] =	vst v17;
	v24 =	vor.u32 v23, v13;
	v15 =	vbroadcast v15, $0x0  }
0xa3: {  	s18 =	simm.s32 $0x180;
	s21 =	simm.s32 $0x100;
	s15 =	simm.s32 $0x5;
	[tilespmem:s20+$0xFFFFFFE0] =	vst v18;
	v18 =	vor.u32 v26, v34;
	v19 =	vld.idx.msk [tilespmem:v19+s19+$0x0], $0xffff  }
0xa4: {  	s5 =	sand.u32 $0x1C00, s21;
	s0 =	sand.u32 $0x380, s18;
	v17 =	vmov s15;
	v28 =	vor.u32 v20, v15;
	v14 =	vadd.f32 v14, v10;
	v22 =	vld.idx.msk [tilespmem:v22+s19+$0x0], $0xffff  }
0xa5: {  	s0 =	sor.u32 s0, s5;
	v17 =	vand.u32 $0x3F, v17;
	v30 =	vor.u32 v21, v15;
	v27 =	vadd.f32 v27, v12  }
0xa6: {  	v29 =	vor.u32 s7, v4;
	v31 =	vor.u32 v25, v11;
	v17 =	vbroadcast v17, $0x0;
	[tilespmem:v8+s0+$0xC400 ss:$0x1] =	vst.idx.msk $0xffff, v14  }
0xa7: {  	v24 =	vld.idx.msk [tilespmem:v24+s19+$0x0], $0xffff;
	[tilespmem:v8+s1+$0xC420 ss:$0x1] =	vst.idx.msk $0xffff, v27;
	v27 =	vor.u32 v29, v33  }
0xa8: {  	v32 =	vor.u32 v20, v17;
	v18 =	vld.idx.msk [tilespmem:v18+s19+$0x0], $0xffff;
	v19 =	vadd.f32 v19, v9  }
0xa9: {  	v35 =	vor.u32 v21, v17;
	v14 =	vld.idx.msk [tilespmem:v28+s16+$0x0], $0xffff;
	v22 =	vadd.f32 v22, v16  }
0xaa: {  	v36 =	vor.u32 v25, v13;
	v30 =	vld.idx.msk [tilespmem:v30+s19+$0x0], $0xffff;
	[tilespmem:s31+$0xFFFFFFD0] =	vst v19  }
0xab: {  	s22 =	simm.s32 $0x6;
	v37 =	vor.u32 v29, v34;
	v31 =	vld.idx.msk [tilespmem:v31+s19+$0x0], $0xffff;
	[tilespmem:s20+$0xFFFFFFF0] =	vst v22  }
0xac: {  	v19 =	vmov s22;
	v24 =	vadd.f32 v24, v10;
	v27 =	vld.idx.msk [tilespmem:v27+s19+$0x0], $0xffff  }
0xad: {  	v56 =	vor.u32 v23, v15;
	v19 =	vand.u32 $0x3E, v19;
	v22 =	vld.idx.msk [tilespmem:v32+s16+$0x0], $0xffff;
	v18 =	vadd.f32 v18, v12  }
0xae: {  	v57 =	vor.u32 v26, v11;
	v28 =	vor.u32 s7, v5;
	v19 =	vbroadcast v19, $0x0;
	[tilespmem:v8+s0+$0xC410 ss:$0x1] =	vst.idx.msk $0xffff, v24;
	v24 =	vld.idx.msk [tilespmem:v35+s19+$0x0], $0xffff  }
0xaf: {  	v58 =	vor.u32 v28, v33;
	v30 =	vadd.f32 v30, v14;
	[tilespmem:v8+s1+$0xC430 ss:$0x1] =	vst.idx.msk $0xffff, v18;
	v18 =	vld.idx.msk [tilespmem:v36+s19+$0x0], $0xffff  }
0xb0: {  	s5 =	sadd.s32 $0x100, s31;
	v42 =	vor.u32 v21, v19;
	v37 =	vld.idx.msk [tilespmem:v37+s19+$0x0], $0xffff;
	v31 =	vadd.f32 v31, v9  }
0xb1: {  	v38 =	vor.u32 v20, v19;
	[tilespmem:s5+$0xFFFFFFC0] =	vst v30;
	v27 =	vadd.f32 v27, v16  }
0xb2: {  	s17 =	simm.s32 $0x200;
	s23 =	simm.s32 $0x280;
	v39 =	vor.u32 v23, v17;
	v40 =	vor.u32 v25, v15;
	v32 =	vld.idx.msk [tilespmem:v56+s19+$0x0], $0xffff;
	[tilespmem:s31+$0xFFFFFFE0] =	vst v31  }
0xb3: {  	s17 =	sand.u32 $0x1C00, s17;
	s15 =	sand.u32 $0x380, s23;
	s23 =	simm.s32 $0x7;
	v31 =	vor.u32 v26, v13;
	v24 =	vadd.f32 v24, v22;
	v35 =	vld.idx.msk [tilespmem:v57+s19+$0x0], $0xffff;
	[tilespmem:s20+$0x0] =	vst v27  }
0xb4: {  	s18 =	sor.u32 s15, s17;
	v41 =	vor.u32 v28, v34;
	v30 =	vmov s23;
	v27 =	vadd.f32 v18, v10;
	v36 =	vld.idx.msk [tilespmem:v58+s19+$0x0], $0xffff  }
0xb5: {  	v59 =	vand.u32 $0x3F, v30;
	v42 =	vld.idx.msk [tilespmem:v42+s19+$0x0], $0xffff;
	[tilespmem:v8+s18+$0xC400 ss:$0x1] =	vst.idx.msk $0xffff, v24;
	v24 =	vadd.f32 v37, v12  }
0xb6: {  	v61 =	vor.u32 v29, v11;
	v30 =	vor.u32 s7, v6;
	v18 =	vld.idx.msk [tilespmem:v38+s16+$0x0], $0xffff;
	[tilespmem:v8+s0+$0xC420 ss:$0x1] =	vst.idx.msk $0xffff, v27;
	v27 =	vbroadcast v59, $0x0  }
0xb7: {  	v63 =	vor.u32 v30, v33;
	v60 =	vld.idx.msk [tilespmem:v39+s19+$0x0], $0xffff;
	[tilespmem:v8+s1+$0xC440 ss:$0x1] =	vst.idx.msk $0xffff, v24;
	v24 =	vadd.f32 v32, v14  }
0xb8: {  	v62 =	vld.idx.msk [tilespmem:v31+s19+$0x0], $0xffff;
	v43 =	vor.u32 v20, v27;
	v31 =	vadd.f32 v35, v9  }
0xb9: {  	s17 =	simm.s32 $0x8;
	v41 =	vld.idx.msk [tilespmem:v41+s19+$0x0], $0xffff;
	v44 =	vor.u32 v21, v27;
	[tilespmem:s5+$0xFFFFFFD0] =	vst v24;
	v24 =	vadd.f32 v36, v16  }
0xba: {  	v48 =	vmov s17;
	v50 =	vor.u32 v25, v17;
	v49 =	vld.idx.msk [tilespmem:v40+s19+$0x0], $0xffff;
	[tilespmem:s31+$0xFFFFFFF0] =	vst v31  }
0xbb: {  	v51 =	vor.u32 v29, v13;
	v35 =	vand.u32 $0x3E, v48;
	v37 =	vld.idx.msk [tilespmem:v61+s19+$0x0], $0xffff;
	[tilespmem:s20+$0x10] =	vst v24  }
0xbc: {  	v53 =	vor.u32 v23, v19;
	v31 =	vbroadcast v35, $0x0;
	v38 =	vadd.f32 v60, v22;
	v45 =	vld.idx.msk [tilespmem:v63+s19+$0x0], $0xffff  }
0xbd: {  	v55 =	vor.u32 v26, v15;
	v46 =	vor.u32 v30, v34;
	v39 =	vadd.f32 v62, v10;
	v24 =	vld.idx.msk [tilespmem:v43+s16+$0x0], $0xffff  }
0xbe: {  	v56 =	vadd.f32 v42, v18;
	v47 =	vor.u32 v20, v31;
	[tilespmem:v8+s18+$0xC410 ss:$0x1] =	vst.idx.msk $0xffff, v38;
	v54 =	vld.idx.msk [tilespmem:v44+s19+$0x0], $0xffff  }
0xbf: {  	v32 =	vor.u32 s7, v7;
	s7 =	sadd.s32 $0x100, s5;
	v52 =	vadd.f32 v41, v12;
	v40 =	vld.idx.msk [tilespmem:v50+s19+$0x0], $0xffff;
	[tilespmem:v8+s0+$0xC430 ss:$0x1] =	vst.idx.msk $0xffff, v39  }
0xc0: {  	v57 =	vor.u32 v28, v11;
	[tilespmem:s7+$0xFFFFFFC0] =	vst v56;
	v58 =	vld.idx.msk [tilespmem:v51+s19+$0x0], $0xffff  }
0xc1: {  	v48 =	vor.u32 v32, v33;
	[tilespmem:v8+s1+$0xC450 ss:$0x1] =	vst.idx.msk $0xffff, v52;
	v36 =	vadd.f32 v49, v14;
	v49 =	vld.idx.msk [tilespmem:v53+s19+$0x0], $0xffff  }
0xc2: {  	v59 =	vor.u32 v23, v27;
	v42 =	vor.u32 v29, v15;
	v46 =	vld.idx.msk [tilespmem:v46+s19+$0x0], $0xffff;
	v37 =	vadd.f32 v37, v9  }
0xc3: {  	s21 =	simm.s32 $0x300;
	s17 =	simm.s32 $0x380;
	v60 =	vor.u32 v26, v17;
	v33 =	vld.idx.msk [tilespmem:v47+s16+$0x0], $0xffff;
	[tilespmem:s5+$0xFFFFFFE0] =	vst v36;
	v45 =	vadd.f32 v45, v16  }
0xc4: {  	s15 =	sand.u32 $0x1C00, s21;
	s21 =	simm.s32 $0x9;
	s22 =	sand.u32 $0x380, s17;
	v61 =	vor.u32 v28, v13;
	v43 =	vadd.f32 v54, v24;
	v41 =	vld.idx.msk [tilespmem:v55+s19+$0x0], $0xffff;
	[tilespmem:s31+$0x0] =	vst v37  }
0xc5: {  	s15 =	sor.u32 s22, s15;
	v62 =	vmov s21;
	v39 =	vor.u32 v32, v34;
	v50 =	vadd.f32 v40, v22;
	v38 =	vld.idx.msk [tilespmem:v57+s19+$0x0], $0xffff;
	[tilespmem:s20+$0x20] =	vst v45  }
0xc6: {  	v34 =	vand.u32 $0x3F, v62;
	[tilespmem:v8+s15+$0xC400 ss:$0x1] =	vst.idx.msk $0xffff, v43;
	v51 =	vadd.f32 v58, v10;
	v40 =	vld.idx.msk [tilespmem:v48+s19+$0x0], $0xffff  }
0xc7: {  	v45 =	vor.u32 v21, v31;
	[tilespmem:v8+s18+$0xC420 ss:$0x1] =	vst.idx.msk $0xffff, v50;
	v44 =	vld.idx.msk [tilespmem:v59+s19+$0x0], $0xffff;
	v63 =	vadd.f32 v46, v12  }
0xc8: {  	v35 =	vor.u32 v25, v19;
	v34 =	vbroadcast v34, $0x0;
	v43 =	vld.idx.msk [tilespmem:v60+s19+$0x0], $0xffff;
	[tilespmem:v8+s0+$0xC440 ss:$0x1] =	vst.idx.msk $0xffff, v51  }
0xc9: {  	s23 =	simm.s32 $0xA;
	v36 =	vor.u32 v30, v11;
	v46 =	vadd.f32 v49, v18;
	v37 =	vld.idx.msk [tilespmem:v61+s19+$0x0], $0xffff;
	[tilespmem:v8+s1+$0xC460 ss:$0x1] =	vst.idx.msk $0xffff, v63  }
.LBB2_7:
0xca: {  	v47 =	vor.u32 v20, v34;
	v41 =	vadd.f32 v41, v14;
	v48 =	vmovc v9;
	v9 =	vmov v14  }
0xcb: {  	p1 =	slt.u32 s23, $0x3E;
	v39 =	vld.idx.msk [tilespmem:v39+s19+$0x0], $0xffff;
	v14 =	vmovc v18;
	v18 =	vmovc v33;
	v49 =	vmov v13;
	v13 =	vmov v17;
	v17 =	vmov v27  }
0xcc: {  	v33 =	vmov s23;
	v50 =	vor.u32 v21, v34;
	v27 =	vmovc v34;
	v45 =	vld.idx.msk [tilespmem:v45+s19+$0x0], $0xffff;
	[tilespmem:s7+$0xFFFFFFD0] =	vst v46;
	v38 =	vadd.f32 v38, v48  }
0xcd: {  	v33 =	vand.u32 $0x3E, v33;
	v46 =	vadd.f32 v40, v16;
	v34 =	vld.idx.msk [tilespmem:v35+s19+$0x0], $0xffff;
	v35 =	vor.u32 v25, v17;
	[tilespmem:s5+$0xFFFFFFF0] =	vst v41  }
0xce: {  	v40 =	vbroadcast v33, $0x0;
	v33 =	vadd.f32 v44, v24;
	v41 =	vld.idx.msk [tilespmem:v42+s19+$0x0], $0xffff;
	v42 =	vor.u32 v29, v13;
	[tilespmem:s31+$0x10] =	vst v38  }
0xcf: {  	v16 =	vmov v48;
	v38 =	vadd.f32 v43, v22;
	v43 =	vor.u32 v30, v49;
	v36 =	vld.idx.msk [tilespmem:v36+s19+$0x0], $0xffff;
	[tilespmem:s20+$0x30] =	vst v46;
	s20 =	smov.u32 s31;
	s31 =	smov.u32 s5;
	s5 =	smov.u32 s7  }
0xd0: {  	v44 =	vor.u32 v20, v40;
	v46 =	vld.idx.msk [tilespmem:v47+s16+$0x0], $0xffff;
	[tilespmem:v8+s15+$0xC410 ss:$0x1] =	vst.idx.msk $0xffff, v33;
	v33 =	vadd.f32 v37, v10  }
0xd1: {  	v37 =	vor.u32 v23, v31;
	v47 =	vld.idx.msk [tilespmem:v50+s19+$0x0], $0xffff;
	[tilespmem:v8+s18+$0xC430 ss:$0x1] =	vst.idx.msk $0xffff, v38;
	v38 =	vadd.f32 v39, v12  }
0xd2: {  	v39 =	vor.u32 v26, v19;
	v12 =	vmov v10;
	v10 =	vmov v22;
	v48 =	vld.idx.msk [tilespmem:v35+s19+$0x0], $0xffff;
	[tilespmem:v8+s0+$0xC450 ss:$0x1] =	vst.idx.msk $0xffff, v33  }
0xd3: {  	v22 =	vadd.f32 v45, v18;
	v45 =	vor.u32 v28, v15;
	v42 =	vld.idx.msk [tilespmem:v42+s19+$0x0], $0xffff;
	[tilespmem:v8+s1+$0xC470 ss:$0x1] =	vst.idx.msk $0xffff, v38;
	s1 =	smov.u32 s0;
	s0 =	smov.u32 s18;
	s18 =	smov.u32 s15  }
0xd4: {  	s7 =	sadd.s32 $0x100, s7;
	v50 =	vor.u32 v32, v11;
	v35 =	vor.u32 v25, v31;
	v34 =	vadd.f32 v34, v14;
	v43 =	vld.idx.msk [tilespmem:v43+s19+$0x0], $0xffff  }
0xd5: {  	s17 =	sadd.s32 $0x100, s17;
	v11 =	vmov v15;
	v38 =	vadd.f32 v41, v9;
	v33 =	vld.idx.msk [tilespmem:v44+s16+$0x0], $0xffff;
	[tilespmem:s7+$0xFFFFFFC0] =	vst v22;
	v22 =	vor.u32 v23, v27  }
0xd6: {  	v51 =	vor.u32 v26, v17;
	v15 =	vmov v19;
	s15 =	sadd.s32 $0xFFFFFF80, s17;
	v37 =	vld.idx.msk [tilespmem:v37+s19+$0x0], $0xffff;
	[tilespmem:s5+$0xFFFFFFE0] =	vst v34;
	v34 =	vadd.f32 v36, v16  }
0xd7: {  	s21 =	sand.u32 $0x380, s17;
	v19 =	vmov v31;
	s15 =	sand.u32 $0x1C00, s15;
	v36 =	vadd.f32 v47, v46;
	v47 =	vor.u32 v28, v13;
	v41 =	vld.idx.msk [tilespmem:v39+s19+$0x0], $0xffff;
	[tilespmem:s31+$0x0] =	vst v38  }
.Ltmp2:
0xd8: {  	s22 =	sadd.s32 $0x1, s23;
	v31 =	vmov v40;
	s15 =	sor.u32 s21, s15;
	v48 =	vadd.f32 v48, v24;
	v39 =	vor.u32 v32, v49;
	v38 =	vld.idx.msk [tilespmem:v45+s19+$0x0], $0xffff;
	[tilespmem:s20+$0x20] =	vst v34;
	(pc) =	sbr.rel @p1 .LBB2_7-.Ltmp2, $4  }
0xd9: {  	v45 =	vor.u32 v21, v31;
	v34 =	vmov s22;
	[tilespmem:v8+s15+$0xC400 ss:$0x1] =	vst.idx.msk $0xffff, v36;
	v36 =	vadd.f32 v42, v10;
	v40 =	vld.idx.msk [tilespmem:v50+s19+$0x0], $0xffff  }
0xda: {  	v34 =	vand.u32 $0x3F, v34;
	v44 =	vld.idx.msk [tilespmem:v22+s19+$0x0], $0xffff;
	[tilespmem:v8+s18+$0xC420 ss:$0x1] =	vst.idx.msk $0xffff, v48;
	v48 =	vadd.f32 v43, v12;
	v22 =	vmov v24  }
0xdb: {  	v42 =	vor.u32 v29, v15;
	v34 =	vbroadcast v34, $0x0;
	v24 =	vmov v46;
	v43 =	vld.idx.msk [tilespmem:v51+s19+$0x0], $0xffff;
	[tilespmem:v8+s0+$0xC440 ss:$0x1] =	vst.idx.msk $0xffff, v36  }
0xdc: {  	s23 =	sadd.s32 $0x2, s23;
	v46 =	vadd.f32 v37, v18;
	v36 =	vor.u32 v30, v11;
	v37 =	vld.idx.msk [tilespmem:v47+s19+$0x0], $0xffff;
	[tilespmem:v8+s1+$0xC460 ss:$0x1] =	vst.idx.msk $0xffff, v48  }
0xdd: {  	v20 =	vor.u32 v20, v34  }
0xde: {  	v21 =	vor.u32 v21, v34;
	_ =	sdelay $0x2  }
0xdf: {  	v45 =	vld.idx.msk [tilespmem:v45+s19+$0x0], $0xffff  }
0xe0: {  	v20 =	vld.idx.msk [tilespmem:v20+s16+$0x0], $0xffff  }
0xe1: {  	v21 =	vld.idx.msk [tilespmem:v21+s19+$0x0], $0xffff;
	_ =	sdelay $0x1  }
0xe2: {  	v47 =	vor.u32 v23, v31  }
0xe3: {  	v49 =	vor.u32 v23, v34;
	s21 =	sadd.s32 $0x100, s17  }
0xe4: {  	s22 =	sadd.s32 $0xFFFFFF80, s21;
	v45 =	vadd.f32 v45, v33  }
0xe5: {  	s17 =	sadd.s32 $0x100, s7;
	s21 =	sand.u32 $0x380, s21;
	s22 =	sand.u32 $0x1C00, s22;
	v21 =	vadd.f32 v21, v20  }
0xe6: {  	s23 =	sor.u32 s21, s22;
	[tilespmem:s17+$0xFFFFFFC0] =	vst v45  }
0xe7: {  	v45 =	vld.idx.msk [tilespmem:v47+s19+$0x0], $0xffff;
	[tilespmem:v8+s23+$0xC400 ss:$0x1] =	vst.idx.msk $0xffff, v21  }
0xe8: {  	v21 =	vld.idx.msk [tilespmem:v49+s19+$0x0], $0xffff  }
0xe9: {  	v50 =	vor.u32 v25, v27  }
0xea: {  	v51 =	vor.u32 v25, v31  }
0xeb: {  	v52 =	vor.u32 v25, v34;
	v44 =	vadd.f32 v44, v24  }
0xec: {  	[tilespmem:s7+$0xFFFFFFD0] =	vst v46;
	v45 =	vadd.f32 v45, v33  }
0xed: {  	v35 =	vld.idx.msk [tilespmem:v35+s19+$0x0], $0xffff;
	[tilespmem:v8+s15+$0xC410 ss:$0x1] =	vst.idx.msk $0xffff, v44;
	v21 =	vadd.f32 v21, v20  }
0xee: {  	v23 =	vld.idx.msk [tilespmem:v50+s19+$0x0], $0xffff;
	[tilespmem:s17+$0xFFFFFFD0] =	vst v45  }
0xef: {  	v53 =	vld.idx.msk [tilespmem:v51+s19+$0x0], $0xffff;
	[tilespmem:v8+s23+$0xC410 ss:$0x1] =	vst.idx.msk $0xffff, v21  }
0xf0: {  	v54 =	vor.u32 v26, v19;
	v25 =	vld.idx.msk [tilespmem:v52+s19+$0x0], $0xffff  }
0xf1: {  	v55 =	vor.u32 v26, v27  }
0xf2: {  	v56 =	vor.u32 v26, v31;
	v35 =	vadd.f32 v35, v18  }
0xf3: {  	v57 =	vor.u32 v26, v34;
	v23 =	vadd.f32 v23, v24  }
0xf4: {  	[tilespmem:s7+$0xFFFFFFE0] =	vst v35;
	v58 =	vadd.f32 v53, v33  }
0xf5: {  	[tilespmem:v8+s15+$0xC420 ss:$0x1] =	vst.idx.msk $0xffff, v23;
	v21 =	vld.idx.msk [tilespmem:v54+s19+$0x0], $0xffff;
	v59 =	vadd.f32 v25, v20  }
0xf6: {  	v60 =	vld.idx.msk [tilespmem:v55+s19+$0x0], $0xffff;
	[tilespmem:s17+$0xFFFFFFE0] =	vst v58  }
0xf7: {  	v61 =	vor.u32 v29, v17;
	v62 =	vld.idx.msk [tilespmem:v56+s19+$0x0], $0xffff;
	[tilespmem:v8+s23+$0xC420 ss:$0x1] =	vst.idx.msk $0xffff, v59  }
0xf8: {  	v63 =	vadd.f32 v41, v14;
	v48 =	vor.u32 v29, v19;
	v26 =	vld.idx.msk [tilespmem:v57+s19+$0x0], $0xffff  }
0xf9: {  	v43 =	vadd.f32 v43, v22;
	v49 =	vor.u32 v29, v27  }
0xfa: {  	v39 =	vld.idx.msk [tilespmem:v39+s19+$0x0], $0xffff;
	[tilespmem:s5+$0xFFFFFFF0] =	vst v63;
	v50 =	vor.u32 v29, v31;
	v21 =	vadd.f32 v21, v18  }
0xfb: {  	v42 =	vld.idx.msk [tilespmem:v42+s19+$0x0], $0xffff;
	[tilespmem:v8+s18+$0xC430 ss:$0x1] =	vst.idx.msk $0xffff, v43;
	v51 =	vor.u32 v29, v34;
	v25 =	vadd.f32 v60, v24  }
0xfc: {  	v35 =	vld.idx.msk [tilespmem:v61+s19+$0x0], $0xffff;
	[tilespmem:s7+$0xFFFFFFF0] =	vst v21;
	v52 =	vadd.f32 v62, v33  }
0xfd: {  	v41 =	vld.idx.msk [tilespmem:v48+s19+$0x0], $0xffff;
	[tilespmem:v8+s15+$0xC430 ss:$0x1] =	vst.idx.msk $0xffff, v25;
	v53 =	vadd.f32 v26, v20  }
0xfe: {  	v16 =	vadd.f32 v40, v16;
	v54 =	vor.u32 v28, v15;
	v55 =	vld.idx.msk [tilespmem:v49+s19+$0x0], $0xffff;
	[tilespmem:s17+$0xFFFFFFF0] =	vst v52  }
0xff: {  	v12 =	vadd.f32 v39, v12;
	v57 =	vor.u32 v28, v17;
	v23 =	vld.idx.msk [tilespmem:v50+s19+$0x0], $0xffff;
	[tilespmem:v8+s23+$0xC430 ss:$0x1] =	vst.idx.msk $0xffff, v53  }
0x100: {  	[tilespmem:s20+$0x30] =	vst v16;
	v58 =	vadd.f32 v42, v14;
	v59 =	vor.u32 v28, v19;
	v29 =	vld.idx.msk [tilespmem:v51+s19+$0x0], $0xffff  }
0x101: {  	[tilespmem:v8+s1+$0xC470 ss:$0x1] =	vst.idx.msk $0xffff, v12;
	v61 =	vor.u32 v28, v27;
	v60 =	vadd.f32 v35, v22  }
0x102: {  	v63 =	vor.u32 v28, v31;
	[tilespmem:s5+$0x0] =	vst v58;
	v62 =	vadd.f32 v41, v18  }
0x103: {  	v45 =	vor.u32 v28, v34;
	[tilespmem:v8+s18+$0xC440 ss:$0x1] =	vst.idx.msk $0xffff, v60;
	v26 =	vld.idx.msk [tilespmem:v54+s19+$0x0], $0xffff;
	v44 =	vadd.f32 v55, v24  }
0x104: {  	v56 =	vadd.f32 v38, v9;
	v38 =	vld.idx.msk [tilespmem:v57+s19+$0x0], $0xffff;
	[tilespmem:s7+$0x0] =	vst v62;
	v46 =	vadd.f32 v23, v33  }
0x105: {  	v47 =	vor.u32 v30, v13;
	v25 =	vld.idx.msk [tilespmem:v59+s19+$0x0], $0xffff;
	[tilespmem:v8+s15+$0xC440 ss:$0x1] =	vst.idx.msk $0xffff, v44;
	v48 =	vadd.f32 v29, v20  }
0x106: {  	v50 =	vor.u32 v30, v15;
	v35 =	vld.idx.msk [tilespmem:v61+s19+$0x0], $0xffff;
	[tilespmem:s17+$0x0] =	vst v46  }
0x107: {  	v49 =	vadd.f32 v37, v10;
	v51 =	vor.u32 v30, v17;
	v52 =	vld.idx.msk [tilespmem:v63+s19+$0x0], $0xffff;
	[tilespmem:v8+s23+$0xC440 ss:$0x1] =	vst.idx.msk $0xffff, v48  }
0x108: {  	[tilespmem:s31+$0x10] =	vst v56;
	v54 =	vor.u32 v30, v19;
	v53 =	vadd.f32 v26, v14;
	v28 =	vld.idx.msk [tilespmem:v45+s19+$0x0], $0xffff  }
0x109: {  	[tilespmem:v8+s0+$0xC450 ss:$0x1] =	vst.idx.msk $0xffff, v49;
	v55 =	vld.idx.msk [tilespmem:v36+s19+$0x0], $0xffff;
	v57 =	vor.u32 v30, v27;
	v56 =	vadd.f32 v38, v22  }
0x10a: {  	v59 =	vor.u32 v30, v31;
	v23 =	vld.idx.msk [tilespmem:v47+s19+$0x0], $0xffff;
	[tilespmem:s5+$0x10] =	vst v53;
	v58 =	vadd.f32 v25, v18  }
0x10b: {  	v61 =	vor.u32 v30, v34;
	[tilespmem:v8+s18+$0xC450 ss:$0x1] =	vst.idx.msk $0xffff, v56;
	v37 =	vld.idx.msk [tilespmem:v50+s19+$0x0], $0xffff;
	v60 =	vadd.f32 v35, v24  }
0x10c: {  	v11 =	vor.u32 v32, v11;
	v16 =	vld.idx.msk [tilespmem:v51+s19+$0x0], $0xffff;
	[tilespmem:s7+$0x10] =	vst v58;
	v62 =	vadd.f32 v52, v33  }
0x10d: {  	v63 =	vor.u32 v32, v13;
	v26 =	vld.idx.msk [tilespmem:v54+s19+$0x0], $0xffff;
	[tilespmem:v8+s15+$0xC450 ss:$0x1] =	vst.idx.msk $0xffff, v60;
	v35 =	vadd.f32 v28, v20  }
0x10e: {  	v39 =	vor.u32 v32, v15;
	v38 =	vadd.f32 v55, v9;
	v40 =	vld.idx.msk [tilespmem:v57+s19+$0x0], $0xffff;
	[tilespmem:s17+$0x10] =	vst v62  }
0x10f: {  	v42 =	vor.u32 v32, v17;
	v41 =	vadd.f32 v23, v10;
	v43 =	vld.idx.msk [tilespmem:v59+s19+$0x0], $0xffff;
	[tilespmem:v8+s23+$0xC450 ss:$0x1] =	vst.idx.msk $0xffff, v35  }
0x110: {  	[tilespmem:s31+$0x20] =	vst v38;
	v45 =	vor.u32 v32, v19;
	v44 =	vadd.f32 v37, v14;
	v46 =	vld.idx.msk [tilespmem:v61+s19+$0x0], $0xffff  }
0x111: {  	v47 =	vor.u32 v32, v27;
	v11 =	vld.idx.msk [tilespmem:v11+s19+$0x0], $0xffff;
	[tilespmem:v8+s0+$0xC460 ss:$0x1] =	vst.idx.msk $0xffff, v41;
	v16 =	vadd.f32 v16, v22  }
0x112: {  	v49 =	vor.u32 v32, v31;
	v13 =	vld.idx.msk [tilespmem:v63+s19+$0x0], $0xffff;
	[tilespmem:s5+$0x20] =	vst v44;
	v48 =	vadd.f32 v26, v18  }
0x113: {  	v51 =	vor.u32 v32, v34;
	[tilespmem:v8+s18+$0xC460 ss:$0x1] =	vst.idx.msk $0xffff, v16;
	v15 =	vld.idx.msk [tilespmem:v39+s19+$0x0], $0xffff;
	v50 =	vadd.f32 v40, v24  }
0x114: {  	v17 =	vld.idx.msk [tilespmem:v42+s19+$0x0], $0xffff;
	[tilespmem:s7+$0x20] =	vst v48;
	v52 =	vadd.f32 v43, v33  }
0x115: {  	v19 =	vld.idx.msk [tilespmem:v45+s19+$0x0], $0xffff;
	[tilespmem:v8+s15+$0xC460 ss:$0x1] =	vst.idx.msk $0xffff, v50;
	v53 =	vadd.f32 v46, v20  }
0x116: {  	v54 =	vadd.f32 v11, v9;
	v55 =	vld.idx.msk [tilespmem:v47+s19+$0x0], $0xffff;
	[tilespmem:s17+$0x20] =	vst v52  }
0x117: {  	v56 =	vadd.f32 v13, v10;
	v12 =	vld.idx.msk [tilespmem:v49+s19+$0x0], $0xffff;
	[tilespmem:v8+s23+$0xC460 ss:$0x1] =	vst.idx.msk $0xffff, v53  }
0x118: {  	[tilespmem:s31+$0x30] =	vst v54;
	v57 =	vadd.f32 v15, v14;
	v58 =	vld.idx.msk [tilespmem:v51+s19+$0x0], $0xffff  }
0x119: {  	[tilespmem:v8+s0+$0xC470 ss:$0x1] =	vst.idx.msk $0xffff, v56;
	v59 =	vadd.f32 v17, v22  }
0x11a: {  	[tilespmem:s5+$0x30] =	vst v57;
	v60 =	vadd.f32 v19, v18  }
0x11b: {  	[tilespmem:v8+s18+$0xC470 ss:$0x1] =	vst.idx.msk $0xffff, v59;
	v61 =	vadd.f32 v55, v24  }
0x11c: {  	s21 =	sshll.u32 s28, $0x7;
	[tilespmem:s7+$0x30] =	vst v60;
	v62 =	vadd.f32 v12, v33  }
0x11d: {  	s22 =	sshll.u32 s29, $0xF;
	s0 =	sand.u32 $0xF80, s21;
	[tilespmem:v8+s15+$0xC470 ss:$0x1] =	vst.idx.msk $0xffff, v61;
	v63 =	vadd.f32 v58, v20  }
0x11e: {  	s0 =	sor.u32 s0, s22;
	[tilespmem:s17+$0x30] =	vst v62  }
0x11f: {  	s28 =	sor.u32 $0xC400, s30;
	s1 =	sor.u32 $0x4, s26;
	s26 =	sadd.s32 s2, s0;
	[tilespmem:v8+s23+$0xC470 ss:$0x1] =	vst.idx.msk $0xffff, v63  }
0x120: {  	[hbm4b:s26+s3] =	stream.linear.scatter [tilespmem:s28], [sflag:s1], $0x400, $0x38;
	[tilespmem:$0x13600] =	vst v63  }
0x121: {  	s31 =	sor.u32 $0xC800, s30;
	s29 =	sadd.s32 s0, s8  }
0x122: {  	[hbm4b:s29+s3] =	stream.linear.scatter [tilespmem:s31], [sflag:s1], $0x400, $0x38;
	[tilespmem:$0x13600] =	vst v63  }
0x123: {  	p1 =	sgt.u32 s25, $0xC5;
	s15 =	sadd.s32 s0, s9;
	s17 =	sor.u32 $0xCC00, s30  }
0x124: {  	[hbm4b:s15+s3] =	stream.linear.scatter [tilespmem:s17], [sflag:s1], $0x400, $0x38;
	[tilespmem:$0x13600] =	vst v63  }
0x125: {  	s20 =	sor.u32 $0xD000, s30;
	s18 =	sadd.s32 s0, s10;
	s5 =	sadd.s32 @!p1 $0x2, s25  }
0x126: {  	[hbm4b:s18+s3] =	stream.linear.scatter [tilespmem:s20], [sflag:s1], $0x400, $0x38;
	[tilespmem:$0x13600] =	vst v63  }
0x127: {  	s22 =	sor.u32 $0xD400, s30;
	s21 =	sadd.s32 s0, s11;
	s17 =	smul.u32 @!p1 $0xAB, s5  }
0x128: {  	[hbm4b:s21+s3] =	stream.linear.scatter [tilespmem:s22], [sflag:s1], $0x400, $0x38;
	[tilespmem:$0x13600] =	vst v63  }
0x129: {  	s23 =	sadd.s32 s0, s12;
	s26 =	sor.u32 $0xD800, s30;
	s7 =	sshrl.u32 @!p1 s17, $0x9  }
0x12a: {  	[hbm4b:s23+s3] =	stream.linear.scatter [tilespmem:s26], [sflag:s1], $0x400, $0x38;
	[tilespmem:$0x13600] =	vst v63  }
0x12b: {  	s28 =	sadd.s32 s0, s13;
	s29 =	sor.u32 $0xDC00, s30;
	s7 =	sand.u32 @!p1 $0x7F, s7  }
0x12c: {  	[hbm4b:s28+s3] =	stream.linear.scatter [tilespmem:s29], [sflag:s1], $0x400, $0x38;
	[tilespmem:$0x13600] =	vst v63  }
0x12d: {  	s0 =	sadd.s32 s0, s14;
	s31 =	sadd.s32 $0xE000, s30;
	s7 =	smul.u32 @!p1 $0x3, s7  }
0x12e: {  	[hbm4b:s0+s3] =	stream.linear.scatter [tilespmem:s31], [sflag:s1], $0x400, $0x38;
	[tilespmem:$0x13600] =	vst v63  }
0x12f: {  	s0 =	ssub.s32 @!p1 s5, s7  }
0x130: {  	s25 =	sadd.s32 $0x1, s25;
	s0 =	sand.u32 @!p1 $0xFF, s0  }
0x131: {  	s5 =	sshll.u32 @!p1 s5, $0x7;
	s7 =	simm.s32 @!p1 $0x80;
	s1 =	sshll.u32 @!p1 s0, $0xD  }
0x132: {  	s5 =	sand.u32 @!p1 $0x3FFFFF80, s5;
	s0 =	sadd.s32 @!p1 $0x1, s0;
	s1 =	sadd.s32 @!p1 $0x6400, s1  }
0x133: {  	[tilespmem:s1], [sflag:s0] =	stream.indirect.gather @!p1 [hbm4b:s4+s7], $0x40, s5, s7, $0xb8;
	[tilespmem:$0x13600] =	vst v63  }
0x134: {  	p1 =	sne.s32 s25, $0xC8  }
.Ltmp3:
0x135: {  	_ = 	snop;
	(pc) =	sbr.rel @p1 .LBB2_6-.Ltmp3, $2  }
0x136: {  	_ =	sdelay $0x2  }
0x137: {  	p0 =	por !p0, !p0  }
0x138: {  	s0 =	simm.s32 $0x4  }
0x139: {  	_ =	swait.ge [sflag:s0], $0x400  }
0x13a: {  	[sflag:s0] =	ssyncset.done $0x0  }
0x13b: {  	[sflag:s0] =	ssyncadd.s32 $0xFFFFFC00  }
0x13c: {  	_ =	swait.ge [sflag:s0], $0x400  }
0x13d: {  	[sflag:s0] =	ssyncset.done $0x0  }
0x13e: {  	[sflag:s0] =	ssyncadd.s32 $0xFFFFFC00  }
0x13f: {  	_ =	swait.ge [sflag:s0], $0x400  }
0x140: {  	[sflag:s0] =	ssyncset.done $0x0  }
0x141: {  	[sflag:s0] =	ssyncadd.s32 $0xFFFFFC00  }
0x142: {  	_ =	swait.ge [sflag:s0], $0x400  }
0x143: {  	[sflag:s0] =	ssyncset.done $0x0  }
0x144: {  	[sflag:s0] =	ssyncadd.s32 $0xFFFFFC00  }
0x145: {  	_ =	swait.ge [sflag:s0], $0x400  }
0x146: {  	[sflag:s0] =	ssyncset.done $0x0  }
0x147: {  	[sflag:s0] =	ssyncadd.s32 $0xFFFFFC00  }
0x148: {  	_ =	swait.ge [sflag:s0], $0x400  }
0x149: {  	[sflag:s0] =	ssyncset.done $0x0  }
0x14a: {  	[sflag:s0] =	ssyncadd.s32 $0xFFFFFC00  }
0x14b: {  	_ =	swait.ge [sflag:s0], $0x400  }
0x14c: {  	[sflag:s0] =	ssyncset.done $0x0  }
0x14d: {  	[sflag:s0] =	ssyncadd.s32 $0xFFFFFC00  }
0x14e: {  	_ =	swait.ge [sflag:s0], $0x400  }
0x14f: {  	[sflag:s0] =	ssyncset.done $0x0  }
0x150: {  	s1 =	simm.s32 $0x5;
	[sflag:s0] =	ssyncadd.s32 $0xFFFFFC00  }
0x151: {  	_ =	swait.ge [sflag:s1], $0x400  }
0x152: {  	[sflag:s1] =	ssyncset.done $0x0  }
0x153: {  	[sflag:s1] =	ssyncadd.s32 $0xFFFFFC00  }
0x154: {  	_ =	swait.ge [sflag:s1], $0x400  }
0x155: {  	[sflag:s1] =	ssyncset.done $0x0  }
0x156: {  	[sflag:s1] =	ssyncadd.s32 $0xFFFFFC00  }
0x157: {  	_ =	swait.ge [sflag:s1], $0x400  }
0x158: {  	[sflag:s1] =	ssyncset.done $0x0  }
0x159: {  	[sflag:s1] =	ssyncadd.s32 $0xFFFFFC00  }
0x15a: {  	_ =	swait.ge [sflag:s1], $0x400  }
0x15b: {  	[sflag:s1] =	ssyncset.done $0x0  }
0x15c: {  	[sflag:s1] =	ssyncadd.s32 $0xFFFFFC00  }
0x15d: {  	_ =	swait.ge [sflag:s1], $0x400  }
0x15e: {  	[sflag:s1] =	ssyncset.done $0x0  }
0x15f: {  	[sflag:s1] =	ssyncadd.s32 $0xFFFFFC00  }
0x160: {  	_ =	swait.ge [sflag:s1], $0x400  }
0x161: {  	[sflag:s1] =	ssyncset.done $0x0  }
0x162: {  	[sflag:s1] =	ssyncadd.s32 $0xFFFFFC00  }
0x163: {  	_ =	swait.ge [sflag:s1], $0x400  }
0x164: {  	[sflag:s1] =	ssyncset.done $0x0  }
0x165: {  	[sflag:s1] =	ssyncadd.s32 $0xFFFFFC00  }
0x166: {  	_ =	swait.ge [sflag:s1], $0x400  }
0x167: {  	s5 =	rddreg [dreg:$0x7]  }
0x168: {  	s31 =	rddreg [dreg:$0x6];
	s5 =	sadd.s32 $0x1, s5  }
0x169: {  	p0 =	sne.s32 s5, s31  }
.Ltmp4:
0x16a: {  	_ = 	snop;
	(pc) =	sbr.rel @p0 .LBB2_1-.Ltmp4, $3  }
0x16b: {  	_ =	sdelay $0x1  }
0x16c: {  	[sflag:s1] =	ssyncset.done $0x0  }
0x16d: {  	s7 =	simm.s32 $0x6;
	[sflag:s1] =	ssyncadd.s32 $0xFFFFFC00  }
0x16e: {  	_ =	sfence.sel $0x180000  }
0x16f: {  	[bflag:$0x0] =	sbarrier.arrive $0xFFFF  }
0x170: {  	_ =	strace $0x90000047  }
0x171: {  	s0 =	stileid.u32;
	[bflag:$0x2] =	sbarrier.arrive $0xFFFF  }
0x172: {  	p0 =	sne.s32 s0, $0x0;
	s0 =	rddreg [dreg:$0x3]  }
0x173: {  	s0 =	sadd.s32 @!p0 $0x100000, s0  }
0x174: {  	[sflag:s0] =	ssyncadd.tile.s32 @!p0 $0x1;
	_ =	shalt  }
.Lfunc_end2:
_tile_overlayer_lowered:
.L_overlay_start_2:
0x175: {  	(tag) =	ssettag $0x2  }
0x176: {  	s0 =	rddreg [dreg:$0x0];
	s2 =	stileid.u32  }
0x177: {  	s1 =	rddreg [dreg:$0x1];
	p0 =	sne.s32 s2, $0x0  }
0x178: {  	s3 =	rddreg [dreg:$0x2];
	[bflag:$0x3] =	sbarrier.arrive $0xFFFF;
	s2 =	simm.s32 @!p0 $0x1C06  }
0x179: {  	[timem:s3], [sflag:s2] =	dma.local @!p0 [hbm:s0], s1  }
0x17a: {  	s0 =	simm.s32 @!p0 $0x6  }
0x17b: {  	_ =	swait.ge @!p0 [sflag:s0], s1  }
0x17c: {  	s1 =	ssub.s32 @!p0 $0x0, s1;
	[sflag:s0] =	ssyncset.done @!p0 $0x0  }
0x17d: {  	[sflag:s0] =	ssyncadd.s32 @!p0 s1  }
0x17e: {  	[bflag:$0x3] =	sbarrier.arrive $0xFFFF  }
0x17f: {  	_ =	shalt  }

</sc_bundles>
